<compile_context>
chip_gen: v7x
topology: tpu7x:2x2x1
jax: 0.10.2.dev20260603
libtpu: 0.0.44.dev20260713+nightly
codegen_flags: <defaults>
</compile_context>

<pallas_src>
import functools

import jax
import jax.numpy as jnp
from jax import lax
from jax.experimental import pallas as pl
from jax.experimental.pallas import tpu as pltpu
from jax.experimental.pallas import tpu_sc as plsc

BATCH = 4096
WINDOW = 50
EMBED = 128
TOTAL = BATCH * WINDOW
NUM_CORES = 2
NUM_SUBCORES = 16
NW = NUM_CORES * NUM_SUBCORES
CHUNK = 128
NCHUNK = WINDOW
NBUF = 6
AHEAD = 3


def _make_gather(vocab_size):
    mesh = plsc.VectorSubcoreMesh(core_axis_name="c", subcore_axis_name="s")

    @functools.partial(
        pl.kernel,
        mesh=mesh,
        out_type=jax.ShapeDtypeStruct((TOTAL, EMBED), jnp.float32),
        scratch_types=[
            pltpu.VMEM((NCHUNK, CHUNK), jnp.int32),
            pltpu.VMEM((NBUF, CHUNK, EMBED), jnp.float32),
            pltpu.SemaphoreType.DMA,
            pltpu.SemaphoreType.DMA,
        ],
    )
    def gather(idx_hbm, table_hbm, out_hbm, idx_v, bufs, gsem, ssem):
        wid = lax.axis_index("s") * NUM_CORES + lax.axis_index("c")
        col = wid * CHUNK
        pltpu.sync_copy(idx_hbm.at[pl.ds(0, 8), pl.ds(col, CHUNK)],
                        idx_v.at[pl.ds(0, 8)])

        def gcopy(i, slot):
            return pltpu.make_async_copy(
                table_hbm.at[idx_v.at[i]], bufs.at[slot], gsem)

        def scopy(i, slot):
            return pltpu.make_async_copy(
                bufs.at[slot], out_hbm.at[pl.ds(i * BATCH + col, CHUNK)], ssem)

        for i in range(AHEAD):
            gcopy(i, i).start()

        pltpu.sync_copy(idx_hbm.at[pl.ds(8, NCHUNK - 8), pl.ds(col, CHUNK)],
                        idx_v.at[pl.ds(8, NCHUNK - 8)])

        for i in range(NBUF - AHEAD):
            gcopy(i, i).wait()
            scopy(i, i).start()
            gcopy(i + AHEAD, i + AHEAD).start()

        def steady(i, carry):
            slot = lax.rem(i, NBUF)
            gcopy(i, slot).wait()
            scopy(i, slot).start()
            scopy(i, slot).wait()
            gcopy(i + AHEAD, lax.rem(i + AHEAD, NBUF)).start()
            return carry

        lax.fori_loop(NBUF - AHEAD, NCHUNK - AHEAD, steady, 0)

        for i in range(NCHUNK - AHEAD, NCHUNK):
            slot = i % NBUF
            gcopy(i, slot).wait()
            scopy(i, slot).start()
            scopy(i, slot).wait()

        for i in range(NBUF - AHEAD):
            scopy(NCHUNK - 1 - i, (NCHUNK - 1 - i) % NBUF).wait()

    return gather


def kernel(inputs, initial_state, embedding_table):
    out = _make_gather(embedding_table.shape[0])(inputs.T, embedding_table)
    return out.reshape(WINDOW, BATCH, EMBED).transpose(1, 0, 2)

# --- scband reference (transcript-rebuilt; emitter-appended) ---
"""Pipeline reference for scband-model-5669356830863 (READ-ONLY COPY).

The authoritative reference and input builder live on the scoring server;
editing this copy changes nothing except your own understanding.
"""

import jax, jax.numpy as jnp
import numpy as np

BATCH = 4096
WINDOW_SIZE = 50
VOCAB_SIZE = 100000
EMBED_DIM = 128

def setup_inputs(seed: int = 0) -> dict:
    key = jax.random.key(seed)
    k1, k2 = jax.random.split(key)
    inputs = jax.random.randint(k1, (BATCH, WINDOW_SIZE), 0, VOCAB_SIZE, dtype=jnp.int64 if jax.config.jax_enable_x64 else jnp.int32).astype(jnp.int32)
    initial_state = jnp.zeros((BATCH, EMBED_DIM), dtype=jnp.float32)
    embedding_table = jax.random.normal(k2, (VOCAB_SIZE, EMBED_DIM), dtype=jnp.float32)
    return {"inputs": inputs, "initial_state": initial_state, "embedding_table": embedding_table}

def reference(inputs, initial_state, embedding_table):
    # Faithful translation of tf.keras.layers.Embedding lookup:
    # embeddings = self.embedding(inputs)
    embeddings = jnp.take(embedding_table, inputs, axis=0)
    return embeddings

if __name__ == "__main__":
    import jax
    _d = setup_inputs()
    print(jax.jit(kernel)(*tuple(_d.values())))

</pallas_src>

<mosaic_0001>
#map = affine_map<(d0, d1) -> (0, 0)>
module attributes {stable_mosaic.version = 14 : i64} {
  func.func @gather(%arg0: i32, %arg1: i32, %arg2: memref<50x4096xi32, #tpu.memory_space<hbm>>, %arg3: memref<100000x128xf32, #tpu.memory_space<hbm>>, %arg4: memref<204800x128xf32, #tpu.memory_space<hbm>>, %arg5: memref<50x128xi32, #tpu.memory_space<vmem>>, %arg6: memref<6x128x128xf32, #tpu.memory_space<vmem>>, %arg7: memref<!tpu.dma_semaphore, #tpu.memory_space<semaphore_mem>>, %arg8: memref<!tpu.dma_semaphore, #tpu.memory_space<semaphore_mem>>) attributes {dimension_semantics = [#tpu.dimension_semantics<core_parallel>, #tpu.dimension_semantics<subcore_parallel>], iteration_bounds = array<i64: 2, 16>, scalar_prefetch = 0 : i64, scratch_operands = 4 : i64, tpu.core_type = #tpu.core_type<sc_vector_subcore>, window_params = [{transform_indices = #map}, {transform_indices = #map}, {transform_indices = #map}]} {
    %mul3A = arith.constant 2 : i32
    %mul3A_0 = arith.muli %arg1, %mul3A : i32
    %add3A = arith.addi %mul3A_0, %arg0 : i32
    %mul3A_1 = arith.constant 128 : i32
    %mul3A_2 = arith.muli %add3A, %mul3A_1 : i32
    "tpu.region"() ({
      %run_scoped3A = tpu.sem_alloc : memref<!tpu.dma_semaphore, #tpu.memory_space<semaphore_mem>>
      %dma_start3A_330 = arith.constant 0 : i32
      %dma_start3A_331 = arith.constant 0 : i32
      %dma_start3A_332 = tpu.memref_slice %arg5[%dma_start3A_330, %dma_start3A_331] : memref<50x128xi32, #tpu.memory_space<vmem>> -> memref<8x128xi32, #tpu.memory_space<vmem>>
      %dma_start3A_333 = arith.constant 0 : i32
      %dma_start3A_334 = tpu.memref_slice %arg2[%dma_start3A_333, %mul3A_2] : memref<50x4096xi32, #tpu.memory_space<hbm>> -> memref<8x128xi32, #tpu.memory_space<hbm>>
      %dma_start3A_335 = arith.constant 0 : i32
      %dma_start3A_336 = arith.constant 0 : i32
      %dma_start3A_337 = tpu.memref_slice %arg5[%dma_start3A_335, %dma_start3A_336] : memref<50x128xi32, #tpu.memory_space<vmem>> -> memref<8x128xi32, #tpu.memory_space<vmem>>
      %dma_start3A_338 = arith.constant 0 : i32
      %dma_start3A_339 = tpu.memref_slice %arg2[%dma_start3A_338, %mul3A_2] : memref<50x4096xi32, #tpu.memory_space<hbm>> -> memref<8x128xi32, #tpu.memory_space<hbm>>
      tpu.enqueue_dma source(%dma_start3A_339 : memref<8x128xi32, #tpu.memory_space<hbm>>) target(%dma_start3A_337 : memref<8x128xi32, #tpu.memory_space<vmem>>) target_semaphore(%run_scoped3A : memref<!tpu.dma_semaphore, #tpu.memory_space<semaphore_mem>>)
      %dma_wait3A_340 = arith.constant 0 : i32
      %dma_wait3A_341 = arith.constant 0 : i32
      %dma_wait3A_342 = tpu.memref_slice %arg5[%dma_wait3A_340, %dma_wait3A_341] : memref<50x128xi32, #tpu.memory_space<vmem>> -> memref<8x128xi32, #tpu.memory_space<vmem>>
      %dma_wait3A_343 = arith.constant 0 : i32
      %dma_wait3A_344 = tpu.memref_slice %arg2[%dma_wait3A_343, %mul3A_2] : memref<50x4096xi32, #tpu.memory_space<hbm>> -> memref<8x128xi32, #tpu.memory_space<hbm>>
      %dma_wait3A_345 = arith.constant 0 : i32
      %dma_wait3A_346 = arith.constant 0 : i32
      %dma_wait3A_347 = tpu.memref_slice %arg5[%dma_wait3A_345, %dma_wait3A_346] : memref<50x128xi32, #tpu.memory_space<vmem>> -> memref<8x128xi32, #tpu.memory_space<vmem>>
      %dma_wait3A_348 = arith.constant 0 : i32
      %dma_wait3A_349 = tpu.memref_slice %arg2[%dma_wait3A_348, %mul3A_2] : memref<50x4096xi32, #tpu.memory_space<hbm>> -> memref<8x128xi32, #tpu.memory_space<hbm>>
      tpu.wait_dma2 semaphore(%run_scoped3A : memref<!tpu.dma_semaphore, #tpu.memory_space<semaphore_mem>>) src(%dma_wait3A_349 : memref<8x128xi32, #tpu.memory_space<hbm>>) dst(%dma_wait3A_347 : memref<8x128xi32, #tpu.memory_space<vmem>>)
      tpu.yield
    }) : () -> ()
    %dma_start3A = arith.constant 0 : i32
    %dma_start3A_3 = arith.constant 0 : i32
    %dma_start3A_4 = arith.constant 0 : i32
    %dma_start3A_5 = arith.constant 0 : i32
    %dma_start3A_6 = tpu.memref_slice %arg6[%dma_start3A_3, %dma_start3A_4, %dma_start3A_5] : memref<6x128x128xf32, #tpu.memory_space<vmem>> -> memref<1x128x128xf32, #tpu.memory_space<vmem>>
    %dma_start3A_7 = tpu.memref_squeeze %dma_start3A_6 : memref<1x128x128xf32, #tpu.memory_space<vmem>> -> memref<128x128xf32, #tpu.memory_space<vmem>>
    %dma_start3A_8 = arith.constant 0 : i32
    %dma_start3A_9 = tpu.memref_slice %arg5[%dma_start3A, %dma_start3A_8] : memref<50x128xi32, #tpu.memory_space<vmem>> -> memref<1x128xi32, #tpu.memory_space<vmem>>
    %dma_start3A_10 = tpu.memref_squeeze %dma_start3A_9 : memref<1x128xi32, #tpu.memory_space<vmem>> -> memref<128xi32, #tpu.memory_space<vmem>>
    %dma_start3A_11 = arith.constant 0 : i32
    %dma_start3A_12 = arith.constant 0 : i32
    %dma_start3A_13 = tpu.memref_slice %arg3[%dma_start3A_11, %dma_start3A_12] : memref<100000x128xf32, #tpu.memory_space<hbm>> -> memref<100000x128xf32, #tpu.memory_space<hbm>>
    tpu.enqueue_indirect_dma source(%dma_start3A_13 : memref<100000x128xf32, #tpu.memory_space<hbm>>) target(%dma_start3A_7 : memref<128x128xf32, #tpu.memory_space<vmem>>) offsets(%dma_start3A_10 : memref<128xi32, #tpu.memory_space<vmem>>) semaphore(%arg7 : memref<!tpu.dma_semaphore, #tpu.memory_space<semaphore_mem>>)
    %dma_start3A_14 = arith.constant 1 : i32
    %dma_start3A_15 = arith.constant 1 : i32
    %dma_start3A_16 = arith.constant 0 : i32
    %dma_start3A_17 = arith.constant 0 : i32
    %dma_start3A_18 = tpu.memref_slice %arg6[%dma_start3A_15, %dma_start3A_16, %dma_start3A_17] : memref<6x128x128xf32, #tpu.memory_space<vmem>> -> memref<1x128x128xf32, #tpu.memory_space<vmem>>
    %dma_start3A_19 = tpu.memref_squeeze %dma_start3A_18 : memref<1x128x128xf32, #tpu.memory_space<vmem>> -> memref<128x128xf32, #tpu.memory_space<vmem>>
    %dma_start3A_20 = arith.constant 0 : i32
    %dma_start3A_21 = tpu.memref_slice %arg5[%dma_start3A_14, %dma_start3A_20] : memref<50x128xi32, #tpu.memory_space<vmem>> -> memref<1x128xi32, #tpu.memory_space<vmem>>
    %dma_start3A_22 = tpu.memref_squeeze %dma_start3A_21 : memref<1x128xi32, #tpu.memory_space<vmem>> -> memref<128xi32, #tpu.memory_space<vmem>>
    %dma_start3A_23 = arith.constant 0 : i32
    %dma_start3A_24 = arith.constant 0 : i32
    %dma_start3A_25 = tpu.memref_slice %arg3[%dma_start3A_23, %dma_start3A_24] : memref<100000x128xf32, #tpu.memory_space<hbm>> -> memref<100000x128xf32, #tpu.memory_space<hbm>>
    tpu.enqueue_indirect_dma source(%dma_start3A_25 : memref<100000x128xf32, #tpu.memory_space<hbm>>) target(%dma_start3A_19 : memref<128x128xf32, #tpu.memory_space<vmem>>) offsets(%dma_start3A_22 : memref<128xi32, #tpu.memory_space<vmem>>) semaphore(%arg7 : memref<!tpu.dma_semaphore, #tpu.memory_space<semaphore_mem>>)
    %dma_start3A_26 = arith.constant 2 : i32
    %dma_start3A_27 = arith.constant 2 : i32
    %dma_start3A_28 = arith.constant 0 : i32
    %dma_start3A_29 = arith.constant 0 : i32
    %dma_start3A_30 = tpu.memref_slice %arg6[%dma_start3A_27, %dma_start3A_28, %dma_start3A_29] : memref<6x128x128xf32, #tpu.memory_space<vmem>> -> memref<1x128x128xf32, #tpu.memory_space<vmem>>
    %dma_start3A_31 = tpu.memref_squeeze %dma_start3A_30 : memref<1x128x128xf32, #tpu.memory_space<vmem>> -> memref<128x128xf32, #tpu.memory_space<vmem>>
    %dma_start3A_32 = arith.constant 0 : i32
    %dma_start3A_33 = tpu.memref_slice %arg5[%dma_start3A_26, %dma_start3A_32] : memref<50x128xi32, #tpu.memory_space<vmem>> -> memref<1x128xi32, #tpu.memory_space<vmem>>
    %dma_start3A_34 = tpu.memref_squeeze %dma_start3A_33 : memref<1x128xi32, #tpu.memory_space<vmem>> -> memref<128xi32, #tpu.memory_space<vmem>>
    %dma_start3A_35 = arith.constant 0 : i32
    %dma_start3A_36 = arith.constant 0 : i32
    %dma_start3A_37 = tpu.memref_slice %arg3[%dma_start3A_35, %dma_start3A_36] : memref<100000x128xf32, #tpu.memory_space<hbm>> -> memref<100000x128xf32, #tpu.memory_space<hbm>>
    tpu.enqueue_indirect_dma source(%dma_start3A_37 : memref<100000x128xf32, #tpu.memory_space<hbm>>) target(%dma_start3A_31 : memref<128x128xf32, #tpu.memory_space<vmem>>) offsets(%dma_start3A_34 : memref<128xi32, #tpu.memory_space<vmem>>) semaphore(%arg7 : memref<!tpu.dma_semaphore, #tpu.memory_space<semaphore_mem>>)
    "tpu.region"() ({
      %run_scoped3A = tpu.sem_alloc : memref<!tpu.dma_semaphore, #tpu.memory_space<semaphore_mem>>
      %dma_start3A_330 = arith.constant 8 : i32
      %dma_start3A_331 = arith.constant 0 : i32
      %dma_start3A_332 = tpu.memref_slice %arg5[%dma_start3A_330, %dma_start3A_331] : memref<50x128xi32, #tpu.memory_space<vmem>> -> memref<42x128xi32, #tpu.memory_space<vmem>>
      %dma_start3A_333 = arith.constant 8 : i32
      %dma_start3A_334 = tpu.memref_slice %arg2[%dma_start3A_333, %mul3A_2] : memref<50x4096xi32, #tpu.memory_space<hbm>> -> memref<42x128xi32, #tpu.memory_space<hbm>>
      %dma_start3A_335 = arith.constant 8 : i32
      %dma_start3A_336 = arith.constant 0 : i32
      %dma_start3A_337 = tpu.memref_slice %arg5[%dma_start3A_335, %dma_start3A_336] : memref<50x128xi32, #tpu.memory_space<vmem>> -> memref<42x128xi32, #tpu.memory_space<vmem>>
      %dma_start3A_338 = arith.constant 8 : i32
      %dma_start3A_339 = tpu.memref_slice %arg2[%dma_start3A_338, %mul3A_2] : memref<50x4096xi32, #tpu.memory_space<hbm>> -> memref<42x128xi32, #tpu.memory_space<hbm>>
      tpu.enqueue_dma source(%dma_start3A_339 : memref<42x128xi32, #tpu.memory_space<hbm>>) target(%dma_start3A_337 : memref<42x128xi32, #tpu.memory_space<vmem>>) target_semaphore(%run_scoped3A : memref<!tpu.dma_semaphore, #tpu.memory_space<semaphore_mem>>)
      %dma_wait3A_340 = arith.constant 8 : i32
      %dma_wait3A_341 = arith.constant 0 : i32
      %dma_wait3A_342 = tpu.memref_slice %arg5[%dma_wait3A_340, %dma_wait3A_341] : memref<50x128xi32, #tpu.memory_space<vmem>> -> memref<42x128xi32, #tpu.memory_space<vmem>>
      %dma_wait3A_343 = arith.constant 8 : i32
      %dma_wait3A_344 = tpu.memref_slice %arg2[%dma_wait3A_343, %mul3A_2] : memref<50x4096xi32, #tpu.memory_space<hbm>> -> memref<42x128xi32, #tpu.memory_space<hbm>>
      %dma_wait3A_345 = arith.constant 8 : i32
      %dma_wait3A_346 = arith.constant 0 : i32
      %dma_wait3A_347 = tpu.memref_slice %arg5[%dma_wait3A_345, %dma_wait3A_346] : memref<50x128xi32, #tpu.memory_space<vmem>> -> memref<42x128xi32, #tpu.memory_space<vmem>>
      %dma_wait3A_348 = arith.constant 8 : i32
      %dma_wait3A_349 = tpu.memref_slice %arg2[%dma_wait3A_348, %mul3A_2] : memref<50x4096xi32, #tpu.memory_space<hbm>> -> memref<42x128xi32, #tpu.memory_space<hbm>>
      tpu.wait_dma2 semaphore(%run_scoped3A : memref<!tpu.dma_semaphore, #tpu.memory_space<semaphore_mem>>) src(%dma_wait3A_349 : memref<42x128xi32, #tpu.memory_space<hbm>>) dst(%dma_wait3A_347 : memref<42x128xi32, #tpu.memory_space<vmem>>)
      tpu.yield
    }) : () -> ()
    %dma_wait3A = arith.constant 0 : i32
    %dma_wait3A_38 = arith.constant 0 : i32
    %dma_wait3A_39 = arith.constant 0 : i32
    %dma_wait3A_40 = arith.constant 0 : i32
    %dma_wait3A_41 = tpu.memref_slice %arg6[%dma_wait3A_38, %dma_wait3A_39, %dma_wait3A_40] : memref<6x128x128xf32, #tpu.memory_space<vmem>> -> memref<1x128x128xf32, #tpu.memory_space<vmem>>
    %dma_wait3A_42 = tpu.memref_squeeze %dma_wait3A_41 : memref<1x128x128xf32, #tpu.memory_space<vmem>> -> memref<128x128xf32, #tpu.memory_space<vmem>>
    %dma_wait3A_43 = arith.constant 0 : i32
    %dma_wait3A_44 = tpu.memref_slice %arg5[%dma_wait3A, %dma_wait3A_43] : memref<50x128xi32, #tpu.memory_space<vmem>> -> memref<1x128xi32, #tpu.memory_space<vmem>>
    %dma_wait3A_45 = tpu.memref_squeeze %dma_wait3A_44 : memref<1x128xi32, #tpu.memory_space<vmem>> -> memref<128xi32, #tpu.memory_space<vmem>>
    %dma_wait3A_46 = arith.constant 0 : i32
    %dma_wait3A_47 = arith.constant 0 : i32
    %dma_wait3A_48 = tpu.memref_slice %arg3[%dma_wait3A_46, %dma_wait3A_47] : memref<100000x128xf32, #tpu.memory_space<hbm>> -> memref<100000x128xf32, #tpu.memory_space<hbm>>
    tpu.wait_indirect_dma semaphore(%arg7 : memref<!tpu.dma_semaphore, #tpu.memory_space<semaphore_mem>>) src(%dma_wait3A_48 : memref<100000x128xf32, #tpu.memory_space<hbm>>) dst(%dma_wait3A_42 : memref<128x128xf32, #tpu.memory_space<vmem>>)
    %add3A_49 = arith.constant 0 : i32
    %add3A_50 = arith.addi %add3A_49, %mul3A_2 : i32
    %dma_start3A_51 = arith.constant 0 : i32
    %dma_start3A_52 = arith.constant 0 : i32
    %dma_start3A_53 = arith.constant 0 : i32
    %dma_start3A_54 = tpu.memref_slice %arg6[%dma_start3A_51, %dma_start3A_52, %dma_start3A_53] : memref<6x128x128xf32, #tpu.memory_space<vmem>> -> memref<1x128x128xf32, #tpu.memory_space<vmem>>
    %dma_start3A_55 = tpu.memref_squeeze %dma_start3A_54 : memref<1x128x128xf32, #tpu.memory_space<vmem>> -> memref<128x128xf32, #tpu.memory_space<vmem>>
    %dma_start3A_56 = arith.constant 0 : i32
    %dma_start3A_57 = tpu.memref_slice %arg4[%add3A_50, %dma_start3A_56] : memref<204800x128xf32, #tpu.memory_space<hbm>> -> memref<128x128xf32, #tpu.memory_space<hbm>>
    %dma_start3A_58 = arith.constant 0 : i32
    %dma_start3A_59 = tpu.memref_slice %arg4[%add3A_50, %dma_start3A_58] : memref<204800x128xf32, #tpu.memory_space<hbm>> -> memref<128x128xf32, #tpu.memory_space<hbm>>
    %dma_start3A_60 = arith.constant 0 : i32
    %dma_start3A_61 = arith.constant 0 : i32
    %dma_start3A_62 = tpu.memref_slice %arg6[%dma_start3A_51, %dma_start3A_60, %dma_start3A_61] : memref<6x128x128xf32, #tpu.memory_space<vmem>> -> memref<1x128x128xf32, #tpu.memory_space<vmem>>
    %dma_start3A_63 = tpu.memref_squeeze %dma_start3A_62 : memref<1x128x128xf32, #tpu.memory_space<vmem>> -> memref<128x128xf32, #tpu.memory_space<vmem>>
    tpu.enqueue_dma source(%dma_start3A_63 : memref<128x128xf32, #tpu.memory_space<vmem>>) target(%dma_start3A_59 : memref<128x128xf32, #tpu.memory_space<hbm>>) target_semaphore(%arg8 : memref<!tpu.dma_semaphore, #tpu.memory_space<semaphore_mem>>)
    %dma_start3A_64 = arith.constant 3 : i32
    %dma_start3A_65 = arith.constant 3 : i32
    %dma_start3A_66 = arith.constant 0 : i32
    %dma_start3A_67 = arith.constant 0 : i32
    %dma_start3A_68 = tpu.memref_slice %arg6[%dma_start3A_65, %dma_start3A_66, %dma_start3A_67] : memref<6x128x128xf32, #tpu.memory_space<vmem>> -> memref<1x128x128xf32, #tpu.memory_space<vmem>>
    %dma_start3A_69 = tpu.memref_squeeze %dma_start3A_68 : memref<1x128x128xf32, #tpu.memory_space<vmem>> -> memref<128x128xf32, #tpu.memory_space<vmem>>
    %dma_start3A_70 = arith.constant 0 : i32
    %dma_start3A_71 = tpu.memref_slice %arg5[%dma_start3A_64, %dma_start3A_70] : memref<50x128xi32, #tpu.memory_space<vmem>> -> memref<1x128xi32, #tpu.memory_space<vmem>>
    %dma_start3A_72 = tpu.memref_squeeze %dma_start3A_71 : memref<1x128xi32, #tpu.memory_space<vmem>> -> memref<128xi32, #tpu.memory_space<vmem>>
    %dma_start3A_73 = arith.constant 0 : i32
    %dma_start3A_74 = arith.constant 0 : i32
    %dma_start3A_75 = tpu.memref_slice %arg3[%dma_start3A_73, %dma_start3A_74] : memref<100000x128xf32, #tpu.memory_space<hbm>> -> memref<100000x128xf32, #tpu.memory_space<hbm>>
    tpu.enqueue_indirect_dma source(%dma_start3A_75 : memref<100000x128xf32, #tpu.memory_space<hbm>>) target(%dma_start3A_69 : memref<128x128xf32, #tpu.memory_space<vmem>>) offsets(%dma_start3A_72 : memref<128xi32, #tpu.memory_space<vmem>>) semaphore(%arg7 : memref<!tpu.dma_semaphore, #tpu.memory_space<semaphore_mem>>)
    %dma_wait3A_76 = arith.constant 1 : i32
    %dma_wait3A_77 = arith.constant 1 : i32
    %dma_wait3A_78 = arith.constant 0 : i32
    %dma_wait3A_79 = arith.constant 0 : i32
    %dma_wait3A_80 = tpu.memref_slice %arg6[%dma_wait3A_77, %dma_wait3A_78, %dma_wait3A_79] : memref<6x128x128xf32, #tpu.memory_space<vmem>> -> memref<1x128x128xf32, #tpu.memory_space<vmem>>
    %dma_wait3A_81 = tpu.memref_squeeze %dma_wait3A_80 : memref<1x128x128xf32, #tpu.memory_space<vmem>> -> memref<128x128xf32, #tpu.memory_space<vmem>>
    %dma_wait3A_82 = arith.constant 0 : i32
    %dma_wait3A_83 = tpu.memref_slice %arg5[%dma_wait3A_76, %dma_wait3A_82] : memref<50x128xi32, #tpu.memory_space<vmem>> -> memref<1x128xi32, #tpu.memory_space<vmem>>
    %dma_wait3A_84 = tpu.memref_squeeze %dma_wait3A_83 : memref<1x128xi32, #tpu.memory_space<vmem>> -> memref<128xi32, #tpu.memory_space<vmem>>
    %dma_wait3A_85 = arith.constant 0 : i32
    %dma_wait3A_86 = arith.constant 0 : i32
    %dma_wait3A_87 = tpu.memref_slice %arg3[%dma_wait3A_85, %dma_wait3A_86] : memref<100000x128xf32, #tpu.memory_space<hbm>> -> memref<100000x128xf32, #tpu.memory_space<hbm>>
    tpu.wait_indirect_dma semaphore(%arg7 : memref<!tpu.dma_semaphore, #tpu.memory_space<semaphore_mem>>) src(%dma_wait3A_87 : memref<100000x128xf32, #tpu.memory_space<hbm>>) dst(%dma_wait3A_81 : memref<128x128xf32, #tpu.memory_space<vmem>>)
    %add3A_88 = arith.constant 4096 : i32
    %add3A_89 = arith.addi %add3A_88, %mul3A_2 : i32
    %dma_start3A_90 = arith.constant 1 : i32
    %dma_start3A_91 = arith.constant 0 : i32
    %dma_start3A_92 = arith.constant 0 : i32
    %dma_start3A_93 = tpu.memref_slice %arg6[%dma_start3A_90, %dma_start3A_91, %dma_start3A_92] : memref<6x128x128xf32, #tpu.memory_space<vmem>> -> memref<1x128x128xf32, #tpu.memory_space<vmem>>
    %dma_start3A_94 = tpu.memref_squeeze %dma_start3A_93 : memref<1x128x128xf32, #tpu.memory_space<vmem>> -> memref<128x128xf32, #tpu.memory_space<vmem>>
    %dma_start3A_95 = arith.constant 0 : i32
    %dma_start3A_96 = tpu.memref_slice %arg4[%add3A_89, %dma_start3A_95] : memref<204800x128xf32, #tpu.memory_space<hbm>> -> memref<128x128xf32, #tpu.memory_space<hbm>>
    %dma_start3A_97 = arith.constant 0 : i32
    %dma_start3A_98 = tpu.memref_slice %arg4[%add3A_89, %dma_start3A_97] : memref<204800x128xf32, #tpu.memory_space<hbm>> -> memref<128x128xf32, #tpu.memory_space<hbm>>
    %dma_start3A_99 = arith.constant 0 : i32
    %dma_start3A_100 = arith.constant 0 : i32
    %dma_start3A_101 = tpu.memref_slice %arg6[%dma_start3A_90, %dma_start3A_99, %dma_start3A_100] : memref<6x128x128xf32, #tpu.memory_space<vmem>> -> memref<1x128x128xf32, #tpu.memory_space<vmem>>
    %dma_start3A_102 = tpu.memref_squeeze %dma_start3A_101 : memref<1x128x128xf32, #tpu.memory_space<vmem>> -> memref<128x128xf32, #tpu.memory_space<vmem>>
    tpu.enqueue_dma source(%dma_start3A_102 : memref<128x128xf32, #tpu.memory_space<vmem>>) target(%dma_start3A_98 : memref<128x128xf32, #tpu.memory_space<hbm>>) target_semaphore(%arg8 : memref<!tpu.dma_semaphore, #tpu.memory_space<semaphore_mem>>)
    %dma_start3A_103 = arith.constant 4 : i32
    %dma_start3A_104 = arith.constant 4 : i32
    %dma_start3A_105 = arith.constant 0 : i32
    %dma_start3A_106 = arith.constant 0 : i32
    %dma_start3A_107 = tpu.memref_slice %arg6[%dma_start3A_104, %dma_start3A_105, %dma_start3A_106] : memref<6x128x128xf32, #tpu.memory_space<vmem>> -> memref<1x128x128xf32, #tpu.memory_space<vmem>>
    %dma_start3A_108 = tpu.memref_squeeze %dma_start3A_107 : memref<1x128x128xf32, #tpu.memory_space<vmem>> -> memref<128x128xf32, #tpu.memory_space<vmem>>
    %dma_start3A_109 = arith.constant 0 : i32
    %dma_start3A_110 = tpu.memref_slice %arg5[%dma_start3A_103, %dma_start3A_109] : memref<50x128xi32, #tpu.memory_space<vmem>> -> memref<1x128xi32, #tpu.memory_space<vmem>>
    %dma_start3A_111 = tpu.memref_squeeze %dma_start3A_110 : memref<1x128xi32, #tpu.memory_space<vmem>> -> memref<128xi32, #tpu.memory_space<vmem>>
    %dma_start3A_112 = arith.constant 0 : i32
    %dma_start3A_113 = arith.constant 0 : i32
    %dma_start3A_114 = tpu.memref_slice %arg3[%dma_start3A_112, %dma_start3A_113] : memref<100000x128xf32, #tpu.memory_space<hbm>> -> memref<100000x128xf32, #tpu.memory_space<hbm>>
    tpu.enqueue_indirect_dma source(%dma_start3A_114 : memref<100000x128xf32, #tpu.memory_space<hbm>>) target(%dma_start3A_108 : memref<128x128xf32, #tpu.memory_space<vmem>>) offsets(%dma_start3A_111 : memref<128xi32, #tpu.memory_space<vmem>>) semaphore(%arg7 : memref<!tpu.dma_semaphore, #tpu.memory_space<semaphore_mem>>)
    %dma_wait3A_115 = arith.constant 2 : i32
    %dma_wait3A_116 = arith.constant 2 : i32
    %dma_wait3A_117 = arith.constant 0 : i32
    %dma_wait3A_118 = arith.constant 0 : i32
    %dma_wait3A_119 = tpu.memref_slice %arg6[%dma_wait3A_116, %dma_wait3A_117, %dma_wait3A_118] : memref<6x128x128xf32, #tpu.memory_space<vmem>> -> memref<1x128x128xf32, #tpu.memory_space<vmem>>
    %dma_wait3A_120 = tpu.memref_squeeze %dma_wait3A_119 : memref<1x128x128xf32, #tpu.memory_space<vmem>> -> memref<128x128xf32, #tpu.memory_space<vmem>>
    %dma_wait3A_121 = arith.constant 0 : i32
    %dma_wait3A_122 = tpu.memref_slice %arg5[%dma_wait3A_115, %dma_wait3A_121] : memref<50x128xi32, #tpu.memory_space<vmem>> -> memref<1x128xi32, #tpu.memory_space<vmem>>
    %dma_wait3A_123 = tpu.memref_squeeze %dma_wait3A_122 : memref<1x128xi32, #tpu.memory_space<vmem>> -> memref<128xi32, #tpu.memory_space<vmem>>
    %dma_wait3A_124 = arith.constant 0 : i32
    %dma_wait3A_125 = arith.constant 0 : i32
    %dma_wait3A_126 = tpu.memref_slice %arg3[%dma_wait3A_124, %dma_wait3A_125] : memref<100000x128xf32, #tpu.memory_space<hbm>> -> memref<100000x128xf32, #tpu.memory_space<hbm>>
    tpu.wait_indirect_dma semaphore(%arg7 : memref<!tpu.dma_semaphore, #tpu.memory_space<semaphore_mem>>) src(%dma_wait3A_126 : memref<100000x128xf32, #tpu.memory_space<hbm>>) dst(%dma_wait3A_120 : memref<128x128xf32, #tpu.memory_space<vmem>>)
    %add3A_127 = arith.constant 8192 : i32
    %add3A_128 = arith.addi %add3A_127, %mul3A_2 : i32
    %dma_start3A_129 = arith.constant 2 : i32
    %dma_start3A_130 = arith.constant 0 : i32
    %dma_start3A_131 = arith.constant 0 : i32
    %dma_start3A_132 = tpu.memref_slice %arg6[%dma_start3A_129, %dma_start3A_130, %dma_start3A_131] : memref<6x128x128xf32, #tpu.memory_space<vmem>> -> memref<1x128x128xf32, #tpu.memory_space<vmem>>
    %dma_start3A_133 = tpu.memref_squeeze %dma_start3A_132 : memref<1x128x128xf32, #tpu.memory_space<vmem>> -> memref<128x128xf32, #tpu.memory_space<vmem>>
    %dma_start3A_134 = arith.constant 0 : i32
    %dma_start3A_135 = tpu.memref_slice %arg4[%add3A_128, %dma_start3A_134] : memref<204800x128xf32, #tpu.memory_space<hbm>> -> memref<128x128xf32, #tpu.memory_space<hbm>>
    %dma_start3A_136 = arith.constant 0 : i32
    %dma_start3A_137 = tpu.memref_slice %arg4[%add3A_128, %dma_start3A_136] : memref<204800x128xf32, #tpu.memory_space<hbm>> -> memref<128x128xf32, #tpu.memory_space<hbm>>
    %dma_start3A_138 = arith.constant 0 : i32
    %dma_start3A_139 = arith.constant 0 : i32
    %dma_start3A_140 = tpu.memref_slice %arg6[%dma_start3A_129, %dma_start3A_138, %dma_start3A_139] : memref<6x128x128xf32, #tpu.memory_space<vmem>> -> memref<1x128x128xf32, #tpu.memory_space<vmem>>
    %dma_start3A_141 = tpu.memref_squeeze %dma_start3A_140 : memref<1x128x128xf32, #tpu.memory_space<vmem>> -> memref<128x128xf32, #tpu.memory_space<vmem>>
    tpu.enqueue_dma source(%dma_start3A_141 : memref<128x128xf32, #tpu.memory_space<vmem>>) target(%dma_start3A_137 : memref<128x128xf32, #tpu.memory_space<hbm>>) target_semaphore(%arg8 : memref<!tpu.dma_semaphore, #tpu.memory_space<semaphore_mem>>)
    %dma_start3A_142 = arith.constant 5 : i32
    %dma_start3A_143 = arith.constant 5 : i32
    %dma_start3A_144 = arith.constant 0 : i32
    %dma_start3A_145 = arith.constant 0 : i32
    %dma_start3A_146 = tpu.memref_slice %arg6[%dma_start3A_143, %dma_start3A_144, %dma_start3A_145] : memref<6x128x128xf32, #tpu.memory_space<vmem>> -> memref<1x128x128xf32, #tpu.memory_space<vmem>>
    %dma_start3A_147 = tpu.memref_squeeze %dma_start3A_146 : memref<1x128x128xf32, #tpu.memory_space<vmem>> -> memref<128x128xf32, #tpu.memory_space<vmem>>
    %dma_start3A_148 = arith.constant 0 : i32
    %dma_start3A_149 = tpu.memref_slice %arg5[%dma_start3A_142, %dma_start3A_148] : memref<50x128xi32, #tpu.memory_space<vmem>> -> memref<1x128xi32, #tpu.memory_space<vmem>>
    %dma_start3A_150 = tpu.memref_squeeze %dma_start3A_149 : memref<1x128xi32, #tpu.memory_space<vmem>> -> memref<128xi32, #tpu.memory_space<vmem>>
    %dma_start3A_151 = arith.constant 0 : i32
    %dma_start3A_152 = arith.constant 0 : i32
    %dma_start3A_153 = tpu.memref_slice %arg3[%dma_start3A_151, %dma_start3A_152] : memref<100000x128xf32, #tpu.memory_space<hbm>> -> memref<100000x128xf32, #tpu.memory_space<hbm>>
    tpu.enqueue_indirect_dma source(%dma_start3A_153 : memref<100000x128xf32, #tpu.memory_space<hbm>>) target(%dma_start3A_147 : memref<128x128xf32, #tpu.memory_space<vmem>>) offsets(%dma_start3A_150 : memref<128xi32, #tpu.memory_space<vmem>>) semaphore(%arg7 : memref<!tpu.dma_semaphore, #tpu.memory_space<semaphore_mem>>)
    %scan3A = arith.constant 0 : i32
    %scan3A_154 = arith.constant 3 : i32
    %scan3A_155 = arith.constant 44 : i32
    %scan3A_156 = arith.addi %scan3A_154, %scan3A_155 : i32
    %scan3A_157 = arith.constant 1 : i32
    scf.for %scan3A_330 = %scan3A_154 to %scan3A_156 step %scan3A_157  : i32 {
      %rem3A = arith.constant 6 : i32
      %rem3A_331 = arith.remsi %scan3A_330, %rem3A : i32
      %dma_wait3A_332 = arith.constant 0 : i32
      %dma_wait3A_333 = arith.constant 0 : i32
      %dma_wait3A_334 = tpu.memref_slice %arg6[%rem3A_331, %dma_wait3A_332, %dma_wait3A_333] : memref<6x128x128xf32, #tpu.memory_space<vmem>> -> memref<1x128x128xf32, #tpu.memory_space<vmem>>
      %dma_wait3A_335 = tpu.memref_squeeze %dma_wait3A_334 : memref<1x128x128xf32, #tpu.memory_space<vmem>> -> memref<128x128xf32, #tpu.memory_space<vmem>>
      %dma_wait3A_336 = arith.constant 0 : i32
      %dma_wait3A_337 = tpu.memref_slice %arg5[%scan3A_330, %dma_wait3A_336] : memref<50x128xi32, #tpu.memory_space<vmem>> -> memref<1x128xi32, #tpu.memory_space<vmem>>
      %dma_wait3A_338 = tpu.memref_squeeze %dma_wait3A_337 : memref<1x128xi32, #tpu.memory_space<vmem>> -> memref<128xi32, #tpu.memory_space<vmem>>
      %dma_wait3A_339 = arith.constant 0 : i32
      %dma_wait3A_340 = arith.constant 0 : i32
      %dma_wait3A_341 = tpu.memref_slice %arg3[%dma_wait3A_339, %dma_wait3A_340] : memref<100000x128xf32, #tpu.memory_space<hbm>> -> memref<100000x128xf32, #tpu.memory_space<hbm>>
      tpu.wait_indirect_dma semaphore(%arg7 : memref<!tpu.dma_semaphore, #tpu.memory_space<semaphore_mem>>) src(%dma_wait3A_341 : memref<100000x128xf32, #tpu.memory_space<hbm>>) dst(%dma_wait3A_335 : memref<128x128xf32, #tpu.memory_space<vmem>>)
      %mul3A_342 = arith.constant 4096 : i32
      %mul3A_343 = arith.muli %scan3A_330, %mul3A_342 : i32
      %add3A_344 = arith.addi %mul3A_343, %mul3A_2 : i32
      %dma_start3A_345 = arith.constant 0 : i32
      %dma_start3A_346 = arith.constant 0 : i32
      %dma_start3A_347 = tpu.memref_slice %arg6[%rem3A_331, %dma_start3A_345, %dma_start3A_346] : memref<6x128x128xf32, #tpu.memory_space<vmem>> -> memref<1x128x128xf32, #tpu.memory_space<vmem>>
      %dma_start3A_348 = tpu.memref_squeeze %dma_start3A_347 : memref<1x128x128xf32, #tpu.memory_space<vmem>> -> memref<128x128xf32, #tpu.memory_space<vmem>>
      %dma_start3A_349 = arith.constant 0 : i32
      %dma_start3A_350 = tpu.memref_slice %arg4[%add3A_344, %dma_start3A_349] : memref<204800x128xf32, #tpu.memory_space<hbm>> -> memref<128x128xf32, #tpu.memory_space<hbm>>
      %dma_start3A_351 = arith.constant 0 : i32
      %dma_start3A_352 = tpu.memref_slice %arg4[%add3A_344, %dma_start3A_351] : memref<204800x128xf32, #tpu.memory_space<hbm>> -> memref<128x128xf32, #tpu.memory_space<hbm>>
      %dma_start3A_353 = arith.constant 0 : i32
      %dma_start3A_354 = arith.constant 0 : i32
      %dma_start3A_355 = tpu.memref_slice %arg6[%rem3A_331, %dma_start3A_353, %dma_start3A_354] : memref<6x128x128xf32, #tpu.memory_space<vmem>> -> memref<1x128x128xf32, #tpu.memory_space<vmem>>
      %dma_start3A_356 = tpu.memref_squeeze %dma_start3A_355 : memref<1x128x128xf32, #tpu.memory_space<vmem>> -> memref<128x128xf32, #tpu.memory_space<vmem>>
      tpu.enqueue_dma source(%dma_start3A_356 : memref<128x128xf32, #tpu.memory_space<vmem>>) target(%dma_start3A_352 : memref<128x128xf32, #tpu.memory_space<hbm>>) target_semaphore(%arg8 : memref<!tpu.dma_semaphore, #tpu.memory_space<semaphore_mem>>)
      %mul3A_357 = arith.constant 4096 : i32
      %mul3A_358 = arith.muli %scan3A_330, %mul3A_357 : i32
      %add3A_359 = arith.addi %mul3A_358, %mul3A_2 : i32
      %dma_wait3A_360 = arith.constant 0 : i32
      %dma_wait3A_361 = arith.constant 0 : i32
      %dma_wait3A_362 = tpu.memref_slice %arg6[%rem3A_331, %dma_wait3A_360, %dma_wait3A_361] : memref<6x128x128xf32, #tpu.memory_space<vmem>> -> memref<1x128x128xf32, #tpu.memory_space<vmem>>
      %dma_wait3A_363 = tpu.memref_squeeze %dma_wait3A_362 : memref<1x128x128xf32, #tpu.memory_space<vmem>> -> memref<128x128xf32, #tpu.memory_space<vmem>>
      %dma_wait3A_364 = arith.constant 0 : i32
      %dma_wait3A_365 = tpu.memref_slice %arg4[%add3A_359, %dma_wait3A_364] : memref<204800x128xf32, #tpu.memory_space<hbm>> -> memref<128x128xf32, #tpu.memory_space<hbm>>
      %dma_wait3A_366 = arith.constant 0 : i32
      %dma_wait3A_367 = tpu.memref_slice %arg4[%add3A_359, %dma_wait3A_366] : memref<204800x128xf32, #tpu.memory_space<hbm>> -> memref<128x128xf32, #tpu.memory_space<hbm>>
      %dma_wait3A_368 = arith.constant 0 : i32
      %dma_wait3A_369 = arith.constant 0 : i32
      %dma_wait3A_370 = tpu.memref_slice %arg6[%rem3A_331, %dma_wait3A_368, %dma_wait3A_369] : memref<6x128x128xf32, #tpu.memory_space<vmem>> -> memref<1x128x128xf32, #tpu.memory_space<vmem>>
      %dma_wait3A_371 = tpu.memref_squeeze %dma_wait3A_370 : memref<1x128x128xf32, #tpu.memory_space<vmem>> -> memref<128x128xf32, #tpu.memory_space<vmem>>
      tpu.wait_dma2 semaphore(%arg8 : memref<!tpu.dma_semaphore, #tpu.memory_space<semaphore_mem>>) src(%dma_wait3A_371 : memref<128x128xf32, #tpu.memory_space<vmem>>) dst(%dma_wait3A_367 : memref<128x128xf32, #tpu.memory_space<hbm>>)
      %add3A_372 = arith.constant 3 : i32
      %add3A_373 = arith.addi %scan3A_330, %add3A_372 : i32
      %add3A_374 = arith.constant 3 : i32
      %add3A_375 = arith.addi %scan3A_330, %add3A_374 : i32
      %rem3A_376 = arith.constant 6 : i32
      %rem3A_377 = arith.remsi %add3A_375, %rem3A_376 : i32
      %dma_start3A_378 = arith.constant 0 : i32
      %dma_start3A_379 = arith.constant 0 : i32
      %dma_start3A_380 = tpu.memref_slice %arg6[%rem3A_377, %dma_start3A_378, %dma_start3A_379] : memref<6x128x128xf32, #tpu.memory_space<vmem>> -> memref<1x128x128xf32, #tpu.memory_space<vmem>>
      %dma_start3A_381 = tpu.memref_squeeze %dma_start3A_380 : memref<1x128x128xf32, #tpu.memory_space<vmem>> -> memref<128x128xf32, #tpu.memory_space<vmem>>
      %dma_start3A_382 = arith.constant 0 : i32
      %dma_start3A_383 = tpu.memref_slice %arg5[%add3A_373, %dma_start3A_382] : memref<50x128xi32, #tpu.memory_space<vmem>> -> memref<1x128xi32, #tpu.memory_space<vmem>>
      %dma_start3A_384 = tpu.memref_squeeze %dma_start3A_383 : memref<1x128xi32, #tpu.memory_space<vmem>> -> memref<128xi32, #tpu.memory_space<vmem>>
      %dma_start3A_385 = arith.constant 0 : i32
      %dma_start3A_386 = arith.constant 0 : i32
      %dma_start3A_387 = tpu.memref_slice %arg3[%dma_start3A_385, %dma_start3A_386] : memref<100000x128xf32, #tpu.memory_space<hbm>> -> memref<100000x128xf32, #tpu.memory_space<hbm>>
      tpu.enqueue_indirect_dma source(%dma_start3A_387 : memref<100000x128xf32, #tpu.memory_space<hbm>>) target(%dma_start3A_381 : memref<128x128xf32, #tpu.memory_space<vmem>>) offsets(%dma_start3A_384 : memref<128xi32, #tpu.memory_space<vmem>>) semaphore(%arg7 : memref<!tpu.dma_semaphore, #tpu.memory_space<semaphore_mem>>)
    }
    %scan3A_158 = arith.constant 44 : i32
    %dma_wait3A_159 = arith.constant 47 : i32
    %dma_wait3A_160 = arith.constant 5 : i32
    %dma_wait3A_161 = arith.constant 0 : i32
    %dma_wait3A_162 = arith.constant 0 : i32
    %dma_wait3A_163 = tpu.memref_slice %arg6[%dma_wait3A_160, %dma_wait3A_161, %dma_wait3A_162] : memref<6x128x128xf32, #tpu.memory_space<vmem>> -> memref<1x128x128xf32, #tpu.memory_space<vmem>>
    %dma_wait3A_164 = tpu.memref_squeeze %dma_wait3A_163 : memref<1x128x128xf32, #tpu.memory_space<vmem>> -> memref<128x128xf32, #tpu.memory_space<vmem>>
    %dma_wait3A_165 = arith.constant 0 : i32
    %dma_wait3A_166 = tpu.memref_slice %arg5[%dma_wait3A_159, %dma_wait3A_165] : memref<50x128xi32, #tpu.memory_space<vmem>> -> memref<1x128xi32, #tpu.memory_space<vmem>>
    %dma_wait3A_167 = tpu.memref_squeeze %dma_wait3A_166 : memref<1x128xi32, #tpu.memory_space<vmem>> -> memref<128xi32, #tpu.memory_space<vmem>>
    %dma_wait3A_168 = arith.constant 0 : i32
    %dma_wait3A_169 = arith.constant 0 : i32
    %dma_wait3A_170 = tpu.memref_slice %arg3[%dma_wait3A_168, %dma_wait3A_169] : memref<100000x128xf32, #tpu.memory_space<hbm>> -> memref<100000x128xf32, #tpu.memory_space<hbm>>
    tpu.wait_indirect_dma semaphore(%arg7 : memref<!tpu.dma_semaphore, #tpu.memory_space<semaphore_mem>>) src(%dma_wait3A_170 : memref<100000x128xf32, #tpu.memory_space<hbm>>) dst(%dma_wait3A_164 : memref<128x128xf32, #tpu.memory_space<vmem>>)
    %add3A_171 = arith.constant 192512 : i32
    %add3A_172 = arith.addi %add3A_171, %mul3A_2 : i32
    %dma_start3A_173 = arith.constant 5 : i32
    %dma_start3A_174 = arith.constant 0 : i32
    %dma_start3A_175 = arith.constant 0 : i32
    %dma_start3A_176 = tpu.memref_slice %arg6[%dma_start3A_173, %dma_start3A_174, %dma_start3A_175] : memref<6x128x128xf32, #tpu.memory_space<vmem>> -> memref<1x128x128xf32, #tpu.memory_space<vmem>>
    %dma_start3A_177 = tpu.memref_squeeze %dma_start3A_176 : memref<1x128x128xf32, #tpu.memory_space<vmem>> -> memref<128x128xf32, #tpu.memory_space<vmem>>
    %dma_start3A_178 = arith.constant 0 : i32
    %dma_start3A_179 = tpu.memref_slice %arg4[%add3A_172, %dma_start3A_178] : memref<204800x128xf32, #tpu.memory_space<hbm>> -> memref<128x128xf32, #tpu.memory_space<hbm>>
    %dma_start3A_180 = arith.constant 0 : i32
    %dma_start3A_181 = tpu.memref_slice %arg4[%add3A_172, %dma_start3A_180] : memref<204800x128xf32, #tpu.memory_space<hbm>> -> memref<128x128xf32, #tpu.memory_space<hbm>>
    %dma_start3A_182 = arith.constant 0 : i32
    %dma_start3A_183 = arith.constant 0 : i32
    %dma_start3A_184 = tpu.memref_slice %arg6[%dma_start3A_173, %dma_start3A_182, %dma_start3A_183] : memref<6x128x128xf32, #tpu.memory_space<vmem>> -> memref<1x128x128xf32, #tpu.memory_space<vmem>>
    %dma_start3A_185 = tpu.memref_squeeze %dma_start3A_184 : memref<1x128x128xf32, #tpu.memory_space<vmem>> -> memref<128x128xf32, #tpu.memory_space<vmem>>
    tpu.enqueue_dma source(%dma_start3A_185 : memref<128x128xf32, #tpu.memory_space<vmem>>) target(%dma_start3A_181 : memref<128x128xf32, #tpu.memory_space<hbm>>) target_semaphore(%arg8 : memref<!tpu.dma_semaphore, #tpu.memory_space<semaphore_mem>>)
    %add3A_186 = arith.constant 192512 : i32
    %add3A_187 = arith.addi %add3A_186, %mul3A_2 : i32
    %dma_wait3A_188 = arith.constant 5 : i32
    %dma_wait3A_189 = arith.constant 0 : i32
    %dma_wait3A_190 = arith.constant 0 : i32
    %dma_wait3A_191 = tpu.memref_slice %arg6[%dma_wait3A_188, %dma_wait3A_189, %dma_wait3A_190] : memref<6x128x128xf32, #tpu.memory_space<vmem>> -> memref<1x128x128xf32, #tpu.memory_space<vmem>>
    %dma_wait3A_192 = tpu.memref_squeeze %dma_wait3A_191 : memref<1x128x128xf32, #tpu.memory_space<vmem>> -> memref<128x128xf32, #tpu.memory_space<vmem>>
    %dma_wait3A_193 = arith.constant 0 : i32
    %dma_wait3A_194 = tpu.memref_slice %arg4[%add3A_187, %dma_wait3A_193] : memref<204800x128xf32, #tpu.memory_space<hbm>> -> memref<128x128xf32, #tpu.memory_space<hbm>>
    %dma_wait3A_195 = arith.constant 0 : i32
    %dma_wait3A_196 = tpu.memref_slice %arg4[%add3A_187, %dma_wait3A_195] : memref<204800x128xf32, #tpu.memory_space<hbm>> -> memref<128x128xf32, #tpu.memory_space<hbm>>
    %dma_wait3A_197 = arith.constant 0 : i32
    %dma_wait3A_198 = arith.constant 0 : i32
    %dma_wait3A_199 = tpu.memref_slice %arg6[%dma_wait3A_188, %dma_wait3A_197, %dma_wait3A_198] : memref<6x128x128xf32, #tpu.memory_space<vmem>> -> memref<1x128x128xf32, #tpu.memory_space<vmem>>
    %dma_wait3A_200 = tpu.memref_squeeze %dma_wait3A_199 : memref<1x128x128xf32, #tpu.memory_space<vmem>> -> memref<128x128xf32, #tpu.memory_space<vmem>>
    tpu.wait_dma2 semaphore(%arg8 : memref<!tpu.dma_semaphore, #tpu.memory_space<semaphore_mem>>) src(%dma_wait3A_200 : memref<128x128xf32, #tpu.memory_space<vmem>>) dst(%dma_wait3A_196 : memref<128x128xf32, #tpu.memory_space<hbm>>)
    %dma_wait3A_201 = arith.constant 48 : i32
    %dma_wait3A_202 = arith.constant 0 : i32
    %dma_wait3A_203 = arith.constant 0 : i32
    %dma_wait3A_204 = arith.constant 0 : i32
    %dma_wait3A_205 = tpu.memref_slice %arg6[%dma_wait3A_202, %dma_wait3A_203, %dma_wait3A_204] : memref<6x128x128xf32, #tpu.memory_space<vmem>> -> memref<1x128x128xf32, #tpu.memory_space<vmem>>
    %dma_wait3A_206 = tpu.memref_squeeze %dma_wait3A_205 : memref<1x128x128xf32, #tpu.memory_space<vmem>> -> memref<128x128xf32, #tpu.memory_space<vmem>>
    %dma_wait3A_207 = arith.constant 0 : i32
    %dma_wait3A_208 = tpu.memref_slice %arg5[%dma_wait3A_201, %dma_wait3A_207] : memref<50x128xi32, #tpu.memory_space<vmem>> -> memref<1x128xi32, #tpu.memory_space<vmem>>
    %dma_wait3A_209 = tpu.memref_squeeze %dma_wait3A_208 : memref<1x128xi32, #tpu.memory_space<vmem>> -> memref<128xi32, #tpu.memory_space<vmem>>
    %dma_wait3A_210 = arith.constant 0 : i32
    %dma_wait3A_211 = arith.constant 0 : i32
    %dma_wait3A_212 = tpu.memref_slice %arg3[%dma_wait3A_210, %dma_wait3A_211] : memref<100000x128xf32, #tpu.memory_space<hbm>> -> memref<100000x128xf32, #tpu.memory_space<hbm>>
    tpu.wait_indirect_dma semaphore(%arg7 : memref<!tpu.dma_semaphore, #tpu.memory_space<semaphore_mem>>) src(%dma_wait3A_212 : memref<100000x128xf32, #tpu.memory_space<hbm>>) dst(%dma_wait3A_206 : memref<128x128xf32, #tpu.memory_space<vmem>>)
    %add3A_213 = arith.constant 196608 : i32
    %add3A_214 = arith.addi %add3A_213, %mul3A_2 : i32
    %dma_start3A_215 = arith.constant 0 : i32
    %dma_start3A_216 = arith.constant 0 : i32
    %dma_start3A_217 = arith.constant 0 : i32
    %dma_start3A_218 = tpu.memref_slice %arg6[%dma_start3A_215, %dma_start3A_216, %dma_start3A_217] : memref<6x128x128xf32, #tpu.memory_space<vmem>> -> memref<1x128x128xf32, #tpu.memory_space<vmem>>
    %dma_start3A_219 = tpu.memref_squeeze %dma_start3A_218 : memref<1x128x128xf32, #tpu.memory_space<vmem>> -> memref<128x128xf32, #tpu.memory_space<vmem>>
    %dma_start3A_220 = arith.constant 0 : i32
    %dma_start3A_221 = tpu.memref_slice %arg4[%add3A_214, %dma_start3A_220] : memref<204800x128xf32, #tpu.memory_space<hbm>> -> memref<128x128xf32, #tpu.memory_space<hbm>>
    %dma_start3A_222 = arith.constant 0 : i32
    %dma_start3A_223 = tpu.memref_slice %arg4[%add3A_214, %dma_start3A_222] : memref<204800x128xf32, #tpu.memory_space<hbm>> -> memref<128x128xf32, #tpu.memory_space<hbm>>
    %dma_start3A_224 = arith.constant 0 : i32
    %dma_start3A_225 = arith.constant 0 : i32
    %dma_start3A_226 = tpu.memref_slice %arg6[%dma_start3A_215, %dma_start3A_224, %dma_start3A_225] : memref<6x128x128xf32, #tpu.memory_space<vmem>> -> memref<1x128x128xf32, #tpu.memory_space<vmem>>
    %dma_start3A_227 = tpu.memref_squeeze %dma_start3A_226 : memref<1x128x128xf32, #tpu.memory_space<vmem>> -> memref<128x128xf32, #tpu.memory_space<vmem>>
    tpu.enqueue_dma source(%dma_start3A_227 : memref<128x128xf32, #tpu.memory_space<vmem>>) target(%dma_start3A_223 : memref<128x128xf32, #tpu.memory_space<hbm>>) target_semaphore(%arg8 : memref<!tpu.dma_semaphore, #tpu.memory_space<semaphore_mem>>)
    %add3A_228 = arith.constant 196608 : i32
    %add3A_229 = arith.addi %add3A_228, %mul3A_2 : i32
    %dma_wait3A_230 = arith.constant 0 : i32
    %dma_wait3A_231 = arith.constant 0 : i32
    %dma_wait3A_232 = arith.constant 0 : i32
    %dma_wait3A_233 = tpu.memref_slice %arg6[%dma_wait3A_230, %dma_wait3A_231, %dma_wait3A_232] : memref<6x128x128xf32, #tpu.memory_space<vmem>> -> memref<1x128x128xf32, #tpu.memory_space<vmem>>
    %dma_wait3A_234 = tpu.memref_squeeze %dma_wait3A_233 : memref<1x128x128xf32, #tpu.memory_space<vmem>> -> memref<128x128xf32, #tpu.memory_space<vmem>>
    %dma_wait3A_235 = arith.constant 0 : i32
    %dma_wait3A_236 = tpu.memref_slice %arg4[%add3A_229, %dma_wait3A_235] : memref<204800x128xf32, #tpu.memory_space<hbm>> -> memref<128x128xf32, #tpu.memory_space<hbm>>
    %dma_wait3A_237 = arith.constant 0 : i32
    %dma_wait3A_238 = tpu.memref_slice %arg4[%add3A_229, %dma_wait3A_237] : memref<204800x128xf32, #tpu.memory_space<hbm>> -> memref<128x128xf32, #tpu.memory_space<hbm>>
    %dma_wait3A_239 = arith.constant 0 : i32
    %dma_wait3A_240 = arith.constant 0 : i32
    %dma_wait3A_241 = tpu.memref_slice %arg6[%dma_wait3A_230, %dma_wait3A_239, %dma_wait3A_240] : memref<6x128x128xf32, #tpu.memory_space<vmem>> -> memref<1x128x128xf32, #tpu.memory_space<vmem>>
    %dma_wait3A_242 = tpu.memref_squeeze %dma_wait3A_241 : memref<1x128x128xf32, #tpu.memory_space<vmem>> -> memref<128x128xf32, #tpu.memory_space<vmem>>
    tpu.wait_dma2 semaphore(%arg8 : memref<!tpu.dma_semaphore, #tpu.memory_space<semaphore_mem>>) src(%dma_wait3A_242 : memref<128x128xf32, #tpu.memory_space<vmem>>) dst(%dma_wait3A_238 : memref<128x128xf32, #tpu.memory_space<hbm>>)
    %dma_wait3A_243 = arith.constant 49 : i32
    %dma_wait3A_244 = arith.constant 1 : i32
    %dma_wait3A_245 = arith.constant 0 : i32
    %dma_wait3A_246 = arith.constant 0 : i32
    %dma_wait3A_247 = tpu.memref_slice %arg6[%dma_wait3A_244, %dma_wait3A_245, %dma_wait3A_246] : memref<6x128x128xf32, #tpu.memory_space<vmem>> -> memref<1x128x128xf32, #tpu.memory_space<vmem>>
    %dma_wait3A_248 = tpu.memref_squeeze %dma_wait3A_247 : memref<1x128x128xf32, #tpu.memory_space<vmem>> -> memref<128x128xf32, #tpu.memory_space<vmem>>
    %dma_wait3A_249 = arith.constant 0 : i32
    %dma_wait3A_250 = tpu.memref_slice %arg5[%dma_wait3A_243, %dma_wait3A_249] : memref<50x128xi32, #tpu.memory_space<vmem>> -> memref<1x128xi32, #tpu.memory_space<vmem>>
    %dma_wait3A_251 = tpu.memref_squeeze %dma_wait3A_250 : memref<1x128xi32, #tpu.memory_space<vmem>> -> memref<128xi32, #tpu.memory_space<vmem>>
    %dma_wait3A_252 = arith.constant 0 : i32
    %dma_wait3A_253 = arith.constant 0 : i32
    %dma_wait3A_254 = tpu.memref_slice %arg3[%dma_wait3A_252, %dma_wait3A_253] : memref<100000x128xf32, #tpu.memory_space<hbm>> -> memref<100000x128xf32, #tpu.memory_space<hbm>>
    tpu.wait_indirect_dma semaphore(%arg7 : memref<!tpu.dma_semaphore, #tpu.memory_space<semaphore_mem>>) src(%dma_wait3A_254 : memref<100000x128xf32, #tpu.memory_space<hbm>>) dst(%dma_wait3A_248 : memref<128x128xf32, #tpu.memory_space<vmem>>)
    %add3A_255 = arith.constant 200704 : i32
    %add3A_256 = arith.addi %add3A_255, %mul3A_2 : i32
    %dma_start3A_257 = arith.constant 1 : i32
    %dma_start3A_258 = arith.constant 0 : i32
    %dma_start3A_259 = arith.constant 0 : i32
    %dma_start3A_260 = tpu.memref_slice %arg6[%dma_start3A_257, %dma_start3A_258, %dma_start3A_259] : memref<6x128x128xf32, #tpu.memory_space<vmem>> -> memref<1x128x128xf32, #tpu.memory_space<vmem>>
    %dma_start3A_261 = tpu.memref_squeeze %dma_start3A_260 : memref<1x128x128xf32, #tpu.memory_space<vmem>> -> memref<128x128xf32, #tpu.memory_space<vmem>>
    %dma_start3A_262 = arith.constant 0 : i32
    %dma_start3A_263 = tpu.memref_slice %arg4[%add3A_256, %dma_start3A_262] : memref<204800x128xf32, #tpu.memory_space<hbm>> -> memref<128x128xf32, #tpu.memory_space<hbm>>
    %dma_start3A_264 = arith.constant 0 : i32
    %dma_start3A_265 = tpu.memref_slice %arg4[%add3A_256, %dma_start3A_264] : memref<204800x128xf32, #tpu.memory_space<hbm>> -> memref<128x128xf32, #tpu.memory_space<hbm>>
    %dma_start3A_266 = arith.constant 0 : i32
    %dma_start3A_267 = arith.constant 0 : i32
    %dma_start3A_268 = tpu.memref_slice %arg6[%dma_start3A_257, %dma_start3A_266, %dma_start3A_267] : memref<6x128x128xf32, #tpu.memory_space<vmem>> -> memref<1x128x128xf32, #tpu.memory_space<vmem>>
    %dma_start3A_269 = tpu.memref_squeeze %dma_start3A_268 : memref<1x128x128xf32, #tpu.memory_space<vmem>> -> memref<128x128xf32, #tpu.memory_space<vmem>>
    tpu.enqueue_dma source(%dma_start3A_269 : memref<128x128xf32, #tpu.memory_space<vmem>>) target(%dma_start3A_265 : memref<128x128xf32, #tpu.memory_space<hbm>>) target_semaphore(%arg8 : memref<!tpu.dma_semaphore, #tpu.memory_space<semaphore_mem>>)
    %add3A_270 = arith.constant 200704 : i32
    %add3A_271 = arith.addi %add3A_270, %mul3A_2 : i32
    %dma_wait3A_272 = arith.constant 1 : i32
    %dma_wait3A_273 = arith.constant 0 : i32
    %dma_wait3A_274 = arith.constant 0 : i32
    %dma_wait3A_275 = tpu.memref_slice %arg6[%dma_wait3A_272, %dma_wait3A_273, %dma_wait3A_274] : memref<6x128x128xf32, #tpu.memory_space<vmem>> -> memref<1x128x128xf32, #tpu.memory_space<vmem>>
    %dma_wait3A_276 = tpu.memref_squeeze %dma_wait3A_275 : memref<1x128x128xf32, #tpu.memory_space<vmem>> -> memref<128x128xf32, #tpu.memory_space<vmem>>
    %dma_wait3A_277 = arith.constant 0 : i32
    %dma_wait3A_278 = tpu.memref_slice %arg4[%add3A_271, %dma_wait3A_277] : memref<204800x128xf32, #tpu.memory_space<hbm>> -> memref<128x128xf32, #tpu.memory_space<hbm>>
    %dma_wait3A_279 = arith.constant 0 : i32
    %dma_wait3A_280 = tpu.memref_slice %arg4[%add3A_271, %dma_wait3A_279] : memref<204800x128xf32, #tpu.memory_space<hbm>> -> memref<128x128xf32, #tpu.memory_space<hbm>>
    %dma_wait3A_281 = arith.constant 0 : i32
    %dma_wait3A_282 = arith.constant 0 : i32
    %dma_wait3A_283 = tpu.memref_slice %arg6[%dma_wait3A_272, %dma_wait3A_281, %dma_wait3A_282] : memref<6x128x128xf32, #tpu.memory_space<vmem>> -> memref<1x128x128xf32, #tpu.memory_space<vmem>>
    %dma_wait3A_284 = tpu.memref_squeeze %dma_wait3A_283 : memref<1x128x128xf32, #tpu.memory_space<vmem>> -> memref<128x128xf32, #tpu.memory_space<vmem>>
    tpu.wait_dma2 semaphore(%arg8 : memref<!tpu.dma_semaphore, #tpu.memory_space<semaphore_mem>>) src(%dma_wait3A_284 : memref<128x128xf32, #tpu.memory_space<vmem>>) dst(%dma_wait3A_280 : memref<128x128xf32, #tpu.memory_space<hbm>>)
    %add3A_285 = arith.constant 200704 : i32
    %add3A_286 = arith.addi %add3A_285, %mul3A_2 : i32
    %dma_wait3A_287 = arith.constant 1 : i32
    %dma_wait3A_288 = arith.constant 0 : i32
    %dma_wait3A_289 = arith.constant 0 : i32
    %dma_wait3A_290 = tpu.memref_slice %arg6[%dma_wait3A_287, %dma_wait3A_288, %dma_wait3A_289] : memref<6x128x128xf32, #tpu.memory_space<vmem>> -> memref<1x128x128xf32, #tpu.memory_space<vmem>>
    %dma_wait3A_291 = tpu.memref_squeeze %dma_wait3A_290 : memref<1x128x128xf32, #tpu.memory_space<vmem>> -> memref<128x128xf32, #tpu.memory_space<vmem>>
    %dma_wait3A_292 = arith.constant 0 : i32
    %dma_wait3A_293 = tpu.memref_slice %arg4[%add3A_286, %dma_wait3A_292] : memref<204800x128xf32, #tpu.memory_space<hbm>> -> memref<128x128xf32, #tpu.memory_space<hbm>>
    %dma_wait3A_294 = arith.constant 0 : i32
    %dma_wait3A_295 = tpu.memref_slice %arg4[%add3A_286, %dma_wait3A_294] : memref<204800x128xf32, #tpu.memory_space<hbm>> -> memref<128x128xf32, #tpu.memory_space<hbm>>
    %dma_wait3A_296 = arith.constant 0 : i32
    %dma_wait3A_297 = arith.constant 0 : i32
    %dma_wait3A_298 = tpu.memref_slice %arg6[%dma_wait3A_287, %dma_wait3A_296, %dma_wait3A_297] : memref<6x128x128xf32, #tpu.memory_space<vmem>> -> memref<1x128x128xf32, #tpu.memory_space<vmem>>
    %dma_wait3A_299 = tpu.memref_squeeze %dma_wait3A_298 : memref<1x128x128xf32, #tpu.memory_space<vmem>> -> memref<128x128xf32, #tpu.memory_space<vmem>>
    tpu.wait_dma2 semaphore(%arg8 : memref<!tpu.dma_semaphore, #tpu.memory_space<semaphore_mem>>) src(%dma_wait3A_299 : memref<128x128xf32, #tpu.memory_space<vmem>>) dst(%dma_wait3A_295 : memref<128x128xf32, #tpu.memory_space<hbm>>)
    %add3A_300 = arith.constant 196608 : i32
    %add3A_301 = arith.addi %add3A_300, %mul3A_2 : i32
    %dma_wait3A_302 = arith.constant 0 : i32
    %dma_wait3A_303 = arith.constant 0 : i32
    %dma_wait3A_304 = arith.constant 0 : i32
    %dma_wait3A_305 = tpu.memref_slice %arg6[%dma_wait3A_302, %dma_wait3A_303, %dma_wait3A_304] : memref<6x128x128xf32, #tpu.memory_space<vmem>> -> memref<1x128x128xf32, #tpu.memory_space<vmem>>
    %dma_wait3A_306 = tpu.memref_squeeze %dma_wait3A_305 : memref<1x128x128xf32, #tpu.memory_space<vmem>> -> memref<128x128xf32, #tpu.memory_space<vmem>>
    %dma_wait3A_307 = arith.constant 0 : i32
    %dma_wait3A_308 = tpu.memref_slice %arg4[%add3A_301, %dma_wait3A_307] : memref<204800x128xf32, #tpu.memory_space<hbm>> -> memref<128x128xf32, #tpu.memory_space<hbm>>
    %dma_wait3A_309 = arith.constant 0 : i32
    %dma_wait3A_310 = tpu.memref_slice %arg4[%add3A_301, %dma_wait3A_309] : memref<204800x128xf32, #tpu.memory_space<hbm>> -> memref<128x128xf32, #tpu.memory_space<hbm>>
    %dma_wait3A_311 = arith.constant 0 : i32
    %dma_wait3A_312 = arith.constant 0 : i32
    %dma_wait3A_313 = tpu.memref_slice %arg6[%dma_wait3A_302, %dma_wait3A_311, %dma_wait3A_312] : memref<6x128x128xf32, #tpu.memory_space<vmem>> -> memref<1x128x128xf32, #tpu.memory_space<vmem>>
    %dma_wait3A_314 = tpu.memref_squeeze %dma_wait3A_313 : memref<1x128x128xf32, #tpu.memory_space<vmem>> -> memref<128x128xf32, #tpu.memory_space<vmem>>
    tpu.wait_dma2 semaphore(%arg8 : memref<!tpu.dma_semaphore, #tpu.memory_space<semaphore_mem>>) src(%dma_wait3A_314 : memref<128x128xf32, #tpu.memory_space<vmem>>) dst(%dma_wait3A_310 : memref<128x128xf32, #tpu.memory_space<hbm>>)
    %add3A_315 = arith.constant 192512 : i32
    %add3A_316 = arith.addi %add3A_315, %mul3A_2 : i32
    %dma_wait3A_317 = arith.constant 5 : i32
    %dma_wait3A_318 = arith.constant 0 : i32
    %dma_wait3A_319 = arith.constant 0 : i32
    %dma_wait3A_320 = tpu.memref_slice %arg6[%dma_wait3A_317, %dma_wait3A_318, %dma_wait3A_319] : memref<6x128x128xf32, #tpu.memory_space<vmem>> -> memref<1x128x128xf32, #tpu.memory_space<vmem>>
    %dma_wait3A_321 = tpu.memref_squeeze %dma_wait3A_320 : memref<1x128x128xf32, #tpu.memory_space<vmem>> -> memref<128x128xf32, #tpu.memory_space<vmem>>
    %dma_wait3A_322 = arith.constant 0 : i32
    %dma_wait3A_323 = tpu.memref_slice %arg4[%add3A_316, %dma_wait3A_322] : memref<204800x128xf32, #tpu.memory_space<hbm>> -> memref<128x128xf32, #tpu.memory_space<hbm>>
    %dma_wait3A_324 = arith.constant 0 : i32
    %dma_wait3A_325 = tpu.memref_slice %arg4[%add3A_316, %dma_wait3A_324] : memref<204800x128xf32, #tpu.memory_space<hbm>> -> memref<128x128xf32, #tpu.memory_space<hbm>>
    %dma_wait3A_326 = arith.constant 0 : i32
    %dma_wait3A_327 = arith.constant 0 : i32
    %dma_wait3A_328 = tpu.memref_slice %arg6[%dma_wait3A_317, %dma_wait3A_326, %dma_wait3A_327] : memref<6x128x128xf32, #tpu.memory_space<vmem>> -> memref<1x128x128xf32, #tpu.memory_space<vmem>>
    %dma_wait3A_329 = tpu.memref_squeeze %dma_wait3A_328 : memref<1x128x128xf32, #tpu.memory_space<vmem>> -> memref<128x128xf32, #tpu.memory_space<vmem>>
    tpu.wait_dma2 semaphore(%arg8 : memref<!tpu.dma_semaphore, #tpu.memory_space<semaphore_mem>>) src(%dma_wait3A_329 : memref<128x128xf32, #tpu.memory_space<vmem>>) dst(%dma_wait3A_325 : memref<128x128xf32, #tpu.memory_space<hbm>>)
    return
  }
}

</mosaic_0001>

<sc_bundles>
// kernel: kernel.3.cloned.1.call-start
scs
__scs_entry_jumppad:
0x0: {  	(pc) =	sbr.rel $0x88, $3  }
0x1: {  	(tag) =	ssettag $0x0;
	lr =	simm.s32 $0x1  }
0x2: {  	[smem:$0x3F9F] =	sst lr;
	_ =	strace $0xD0000000  }
0x3: {  	_ = 	snop  }
0x4: {  	_ = 	snop  }
0x5: {  	_ = 	snop  }
0x6: {  	_ = 	snop  }
0x7: {  	_ = 	snop  }
__scs_overlays_trampoline_lowered:
0x8: {  	[smem:$0x3FAE] =	sst s0  }
0x9: {  	[smem:$0x3FAF] =	sst s1  }
0xa: {  	[smem:$0x3FB0] =	sst s2  }
0xb: {  	[smem:$0x3FB1] =	sst s3  }
0xc: {  	[smem:$0x3FB2] =	sst s4  }
0xd: {  	[smem:$0x3FB3] =	sst s5  }
0xe: {  	[smem:$0x3FB4] =	sst s6  }
0xf: {  	[smem:$0x3FB5] =	sst s7  }
0x10: {  	[smem:$0x3FB6] =	sst s8  }
0x11: {  	[smem:$0x3FB7] =	sst s9;
	s0 =	simm.s32 @!p0 $0x0  }
0x12: {  	s1 =	sld [smem:$0x3F9D];
	s0 =	simm.s32 @p0 $0x1  }
0x13: {  	[smem:$0x3FB8] =	sst s0;
	s0 =	simm.s32 @!p1 $0x0  }
0x14: {  	s2 =	sld [smem:$0x3F9C];
	s0 =	simm.s32 @p1 $0x1  }
0x15: {  	[smem:$0x3FB9] =	sst s0;
	s0 =	simm.s32 @!p2 $0x0  }
0x16: {  	s3 =	sld [smem:$0x3FDB];
	s0 =	simm.s32 @p2 $0x1  }
0x17: {  	s4 =	simm.s32 $0x1BF5;
	[smem:$0x3FBB] =	sst s0  }
0x18: {  	s0 =	sld [smem:$0x3F9E];
	_ =	swait.ge [sflag:s4], $0x0  }
0x19: {  	s7 =	sld [smem:$0x3F9F]  }
0x1a: {  	s8 =	sadd.s32 $0xFFFFE003, lr  }
0x1b: {  	s9 =	sadd.s32 $0xFFFFFEF7, lr;
	s5 =	simm.s32 $0xFFFFFFFF;
	p2 =	slt.u32 s8, $0xFFFFF086  }
0x1c: {  	p1 =	slt.u32 s9, $0xF7A;
	s5 =	simm.s32 @!p2 $0x0  }
0x1d: {  	s5 =	simm.s32 @p1 $0x1;
	p0 =	seq.s32 s7, s2  }
0x1e: {  	s7 =	smul.u32 @!p0 $0xF7A, s2;
	p2 =	seq.s32 @!p0 s5, $0x0  }
0x1f: {  	s9 =	smul.u32 $0xF7A, s1;
	s8 =	simm.s32 @!p0 $0x1BF5;
	p2 =	por !p2, p0  }
0x20: {  	[sflag:s8] =	ssyncset.s32 @!p0 $0xFFFFF086;
	s6 =	sadd.s32 @!p0 s3, s7;
	s7 =	simm.s32 @!p0 $0x108  }
0x21: {  	s3 =	sadd.s32 s3, s9;
	s6 =	sadd.s32 @!p0 $0x88, s6;
	s7 =	simm.s32 @p2 $0x1082  }
0x22: {  	[simem:s7], [sflag:s8] =	dma.local @!p0 [hbm:s6], $0xF7A  }
0x23: {  	s9 =	sor.u32 $0xD0000000, s2;
	s6 =	simm.s32 $0x108;
	_ =	swait.ge @!p0 [sflag:s8], $0x0  }
0x24: {  	s3 =	sadd.s32 $0x88, s3;
	s6 =	simm.s32 @!p1 $0x1082;
	[sflag:s4] =	ssyncset.s32 $0xFFFFF086  }
0x25: {  	[simem:s6], [sflag:s4] =	dma.local [hbm:s3], $0xF7A  }
0x26: {  	[smem:$0x3F9F] =	sst s1;
	(tag) =	ssettag s2;
	_ =	strace s9  }
0x27: {  	s1 =	sld [smem:$0x3FAF]  }
0x28: {  	s2 =	sld [smem:$0x3FB0]  }
0x29: {  	s4 =	sld [smem:$0x3FB2]  }
0x2a: {  	p0 =	seq.s32 s5, $0x0;
	s5 =	sld [smem:$0x3FB3]  }
0x2b: {  	s6 =	sld [smem:$0x3FB4]  }
0x2c: {  	s7 =	sld [smem:$0x3FB5]  }
0x2d: {  	s3 =	simm.s32 $0x108;
	s8 =	sld [smem:$0x3FB6]  }
0x2e: {  	s3 =	simm.s32 @!p0 $0x1082;
	s9 =	sld [smem:$0x3FB7]  }
0x2f: {  	lr =	sadd.s32 s0, s3;
	s0 =	sld [smem:$0x3FAE]  }
0x30: {  	s3 =	sld [smem:$0x3FB1]  }
0x31: {  	[smem:$0x3FBA] =	sst s10  }
0x32: {  	s10 =	sld [smem:$0x3FB8];
	_ =	sdelay $0x3  }
0x33: {  	p0 =	seq.s32 s10, $0x1;
	s10 =	sld [smem:$0x3FBA];
	_ =	sdelay $0x3  }
0x34: {  	[smem:$0x3FBA] =	sst s10  }
0x35: {  	s10 =	sld [smem:$0x3FB9];
	_ =	sdelay $0x3  }
0x36: {  	p1 =	seq.s32 s10, $0x1;
	s10 =	sld [smem:$0x3FBA];
	_ =	sdelay $0x3  }
0x37: {  	[smem:$0x3FBA] =	sst s10  }
0x38: {  	s10 =	sld [smem:$0x3FBB]  }
0x39: {  	_ = 	snop;
	(pc) =	sbr.ind lr, $3  }
0x3a: {  	_ = 	snop  }
0x3b: {  	_ = 	snop  }
0x3c: {  	p2 =	seq.s32 s10, $0x1;
	s10 =	sld [smem:$0x3FBA]  }
0x3d: {  	_ =	shalt  }
0x3e: {  	_ =	shalt  }
0x3f: {  	_ =	shalt  }
0x40: {  	_ =	shalt  }
0x41: {  	_ =	shalt  }
0x42: {  	_ =	shalt  }
0x43: {  	_ =	shalt  }
0x44: {  	_ =	shalt  }
0x45: {  	_ =	shalt  }
0x46: {  	_ =	shalt  }
0x47: {  	_ =	shalt  }
0x48: {  	_ =	shalt  }
0x49: {  	_ =	shalt  }
0x4a: {  	_ =	shalt  }
0x4b: {  	_ =	shalt  }
0x4c: {  	_ =	shalt  }
0x4d: {  	_ =	shalt  }
0x4e: {  	_ =	shalt  }
0x4f: {  	_ =	shalt  }
0x50: {  	_ =	shalt  }
0x51: {  	_ =	shalt  }
0x52: {  	_ =	shalt  }
0x53: {  	_ =	shalt  }
0x54: {  	_ =	shalt  }
0x55: {  	_ =	shalt  }
0x56: {  	_ =	shalt  }
0x57: {  	_ =	shalt  }
0x58: {  	_ =	shalt  }
0x59: {  	_ =	shalt  }
0x5a: {  	_ =	shalt  }
0x5b: {  	_ =	shalt  }
0x5c: {  	_ =	shalt  }
0x5d: {  	_ =	shalt  }
0x5e: {  	_ =	shalt  }
0x5f: {  	_ =	shalt  }
0x60: {  	_ =	shalt  }
0x61: {  	_ =	shalt  }
0x62: {  	_ =	shalt  }
0x63: {  	_ =	shalt  }
0x64: {  	_ =	shalt  }
0x65: {  	_ =	shalt  }
0x66: {  	_ =	shalt  }
0x67: {  	_ =	shalt  }
0x68: {  	_ =	shalt  }
0x69: {  	_ =	shalt  }
0x6a: {  	_ =	shalt  }
0x6b: {  	_ =	shalt  }
0x6c: {  	_ =	shalt  }
0x6d: {  	_ =	shalt  }
0x6e: {  	_ =	shalt  }
0x6f: {  	_ =	shalt  }
0x70: {  	_ =	shalt  }
0x71: {  	_ =	shalt  }
0x72: {  	_ =	shalt  }
0x73: {  	_ =	shalt  }
0x74: {  	_ =	shalt  }
0x75: {  	_ =	shalt  }
0x76: {  	_ =	shalt  }
0x77: {  	_ =	shalt  }
0x78: {  	_ =	shalt  }
0x79: {  	_ =	shalt  }
0x7a: {  	_ =	shalt  }
0x7b: {  	_ =	shalt  }
0x7c: {  	_ =	shalt  }
0x7d: {  	_ =	shalt  }
0x7e: {  	_ =	shalt  }
0x7f: {  	_ =	shalt  }
0x80: {  	_ =	shalt  }
0x81: {  	_ =	shalt  }
0x82: {  	_ =	shalt  }
0x83: {  	_ =	shalt  }
0x84: {  	_ =	shalt  }
0x85: {  	_ =	shalt  }
0x86: {  	_ =	shalt  }
0x87: {  	_ =	shalt  }
.Lfunc_end0:
.L_simem_size_0:
called_computation_lowered:
.L_overlay_start_0:
0x88: {  	s2 =	sld [smem:$0x3FD9]  }
0x89: {  	s3 =	sld [smem:$0x3FFE];
	_ =	sdelay $0x1  }
0x8a: {  	s1 =	srdreg.scid  }
0x8b: {  	s0 =	sand.u32 $0x1, s1  }
0x8c: {  	s18 =	sshll.u32 s0, $0xA;
	s2 =	sadd.s32 s3, s2  }
0x8d: {  	s2 =	sadd.s32 s2, s18  }
0x8e: {  	[smem:$0x3FC6] =	sst s2  }
0x8f: {  	_ = 	snop  }
0x90: {  	s2 =	sld [smem:$0x3FC9]  }
0x91: {  	s19 =	sld [smem:$0x3FC8]  }
0x92: {  	s4 =	sld [smem:$0x3FD0];
	(tm) =	ssettm $0x1  }
0x93: {  	s5 =	sld [smem:$0x3FFB];
	_ =	sdelay $0x3  }
0x94: {  	_ =	strace s5  }
0x95: {  	s5 =	sld [smem:$0x3FFC];
	_ =	sdelay $0x3  }
0x96: {  	_ =	strace s5  }
0x97: {  	s5 =	sld [smem:$0x3FFD];
	_ =	sdelay $0x3  }
0x98: {  	_ =	strace s5  }
0x99: {  	_ =	strace $0x8FFFFFFF  }
0x9a: {  	s20 =	sld [smem:$0x3FDB];
	_ =	sdelay $0x1  }
0x9b: {  	s6 =	simm.s32 $_scs_section_size  }
0x9c: {  	s7 =	simm.s32 $_size__tile_overlayer_lowered;
	s8 =	simm.s32 $_tile_overlayer_lowered  }
0x9d: {  	s23 =	simm.s32 $0x1BFF;
	s22 =	sshll.u32 s8, $0x1;
	s5 =	sadd.s32 s6, s20  }
0x9e: {  	s9 =	simm.s32 $0x0;
	s21 =	sshll.u32 s7, $0x1;
	s7 =	sadd.s32 s22, s5  }
0x9f: {  	[timem:s9], [sflag:s23] =	dma.local [hbm:s7], s21  }
0xa0: {  	_ =	swait.ge [sflag:s23], s21  }
0xa1: {  	s6 =	ssub.s32 $0x0, s21;
	[sflag:s23] =	ssyncset.done $0x0  }
0xa2: {  	[sflag:s23] =	ssyncadd.s32 s6;
	_ =	sdelay $0x1  }
0xa3: {  	s24 =	simm.s32 $0x1B8B  }
0xa4: {  	_ =	swait.ge [sflag:s24], $0x1  }
0xa5: {  	[sflag:s24] =	ssyncset.done $0x0  }
0xa6: {  	s25 =	simm.s32 $0x1B8E;
	[sflag:s24] =	ssyncadd.s32 $0xFFFFFFFF  }
0xa7: {  	s26 =	simm.s32 $execute0_lowered;
	[smem:$0x3FD2] =	sst s25  }
0xa8: {  	s6 =	sshll.u32 s26, $0x1;
	_ =	strace $0x80000046;
	[dreg:$0x1] =	wrdreg $0xFFFFFFFF  }
0xa9: {  	s28 =	simm.s32 $_size_execute0_lowered;
	s5 =	sadd.s32 s5, s6;
	[dreg:$0x0] =	wrdreg $0x0  }
0xaa: {  	s6 =	sshll.u32 s28, $0x1;
	[dreg:$0x2] =	wrdreg s5  }
0xab: {  	[dreg:$0x3] =	wrdreg s6  }
0xac: {  	[dreg:$0x4] =	wrdreg $0xC0  }
0xad: {  	_ =	task [dreg:s9], $0x5FFFF  }
0xae: {  	[dreg:$0x1] =	wrdreg $0xFFFFFFFF  }
0xaf: {  	[dreg:$0x0] =	wrdreg $0x60  }
0xb0: {  	[dreg:$0x2] =	wrdreg s2  }
0xb1: {  	[dreg:$0x3] =	wrdreg s19  }
0xb2: {  	[dreg:$0x4] =	wrdreg s4  }
0xb3: {  	[dreg:$0x5] =	wrdreg $0x9  }
0xb4: {  	_ =	task.clear_ibuf [dreg:s9], $0x6FFFF;
	_ =	strace $0x90000046  }
0xb5: {  	s29 =	simm.s32 $0x9;
	_ =	strace $0x80000048  }
0xb6: {  	_ =	swait.ge [sflag:s29], $0x1  }
0xb7: {  	[sflag:s29] =	ssyncadd.s32 $0xFFFFFFFF  }
0xb8: {  	_ =	strace $0x90000048  }
0xb9: {  	_ =	sfence  }
0xba: {  	s30 =	sld [smem:$0x0];
	_ =	sdelay $0x2  }
0xbb: {  	s31 =	sshll.u32 s1, $0xD;
	s1 =	sshrl.u32 s1, $0x2  }
0xbc: {  	s3 =	sand.u32 $0x4000, s31;
	s1 =	sadd.s32 s1, s30  }
0xbd: {  	s0 =	sor.u32 s3, s0;
	s1 =	sshll.u32 s1, $0x11  }
0xbe: {  	s0 =	sor.u32 s1, s0  }
0xbf: {  	s0 =	sadd.s32 $0x8F2B, s0  }
0xc0: {  	[sflag:s0] =	ssyncadd.remote.s32 $0x1  }
0xc1: {  	_ =	sfence.sel $0xFFFF  }
0xc2: {  	[dreg:$0x0] =	wrdreg $0xFFFFFFFF;
	(pc) =	sbr.abs _section_cstart, $3  }
0xc3: {  	[dreg:$0x1] =	wrdreg $0xFFFFFFFF  }
0xc4: {  	_ =	task.clear_ibuf [dreg:s9], $0x2FFFF;
	_ =	strace $0x9FFFFFFF  }
0xc5: {  	(tm) =	ssettm $0x7FFFFFFF  }
tec
execute0_lowered:
.L_overlay_start_1:
0x0: {  	(tag) =	ssettag $0x1  }
0x1: {  	s0 =	rddreg [dreg:$0x0]  }
0x2: {  	s1 =	rddreg [dreg:$0x1]  }
0x3: {  	s2 =	rddreg [dreg:$0x2];
	s4 =	srdreg.scid;
	s3 =	simm.s32 $0x0  }
0x4: {  	s9 =	stileid.u32;
	s14 =	simm.s32 $0x3;
	s15 =	simm.s32 $0x80  }
0x5: {  	s16 =	simm.s32 $0x1C00;
	s17 =	simm.s32 $0x5C00;
	s19 =	simm.s32 $0x9C00  }
0x6: {  	s24 =	simm.s32 $0x1;
	s31 =	simm.s32 $0x15C00;
	s10 =	sand.u32 $0x1, s4  }
0x7: {  	[smem:$0x7FF] =	sst s3;
	s26 =	sshll.u32 s9, $0x8;
	s29 =	sshll.u32 s9, $0xC  }
0x8: {  	s5 =	sshll.u32 s10, $0x7;
	_ =	strace $0x80000047;
	s6 =	ssub.s32 $0x2, s10  }
0x9: {  	s30 =	sshll.u32 s10, $0xB;
	s5 =	sor.u32 s5, s26;
	s7 =	sshrl.u32 s6, $0x1  }
0xa: {  	s4 =	sadd.s32 s0, s5;
	s28 =	sshll.u32 s5, $0x4;
	s12 =	ssub.s32 s6, s7  }
0xb: {  	s5 =	sadd.s32 $0x1000, s4;
	s6 =	sadd.s32 s2, s28;
	s12 =	smax.u32 s12, $0x1  }
0xc: {  	s0 =	sadd.s32 $0x10000, s6;
	s8 =	sadd.s32 $0x20000, s6;
	s9 =	sadd.s32 $0x2F0000, s6  }
0xd: {  	s10 =	sadd.s32 $0x300000, s6;
	[dreg:$0x4] =	wrdreg s0;
	s0 =	sadd.s32 s29, s2  }
0xe: {  	s11 =	sadd.s32 $0x310000, s6;
	s22 =	sadd.s32 $0x5000, s5;
	s0 =	sadd.s32 s30, s0  }
0xf: {  	s2 =	simm.s32 $0x0;
	s13 =	sadd.s32 $0x30000, s0;
	s0 =	simm.s32 $0x2  }
.LBB2_1:
0x10: {  	[tilespmem:s3], [sflag:$0x3] =	stream.linear.gather [hbm4b:s4+s3], $0x400, $0x38;
	[tilespmem:$0x19C00] =	vst v63  }
0x11: {  	_ =	swait.ge [sflag:s14], $0x400  }
0x12: {  	[sflag:s14] =	ssyncset.done $0x0  }
0x13: {  	[sflag:s14] =	ssyncadd.s32 $0xFFFFFC00  }
0x14: {  	[tilespmem:s16], [sflag:$0x1] =	stream.indirect.gather [hbm4b:s1+s15], $0x80, s3, s15, $0xb8;
	[tilespmem:$0x19C00] =	vst v63  }
0x15: {  	_ = 	snop  }
0x16: {  	[tilespmem:s17], [sflag:$0x1] =	stream.indirect.gather [hbm4b:s1+s15], $0x80, s15, s15, $0xb8;
	[tilespmem:$0x19C00] =	vst v63  }
0x17: {  	s7 =	simm.s32 $0x100  }
0x18: {  	[tilespmem:s19], [sflag:$0x1] =	stream.indirect.gather [hbm4b:s1+s15], $0x80, s7, s15, $0xb8;
	[tilespmem:$0x19C00] =	vst v63  }
0x19: {  	s26 =	simm.s32 $0x8000;
	s18 =	simm.s32 $0x400  }
0x1a: {  	[tilespmem:s18], [sflag:$0x3] =	stream.strided.gather [hbm4b:s5+s18], $0x1400, s26, s18, $0x38;
	[tilespmem:$0x19C00] =	vst v63  }
0x1b: {  	s30 =	simm.s32 $0x1800  }
0x1c: {  	[tilespmem:s30], [sflag:$0x3] =	stream.linear.gather [hbm4b:s22+s3], $0x100, $0x38;
	[tilespmem:$0x19C00] =	vst v63  }
0x1d: {  	_ =	swait.ge [sflag:s14], $0x1500  }
0x1e: {  	[sflag:s14] =	ssyncset.done $0x0  }
0x1f: {  	[sflag:s14] =	ssyncadd.s32 $0xFFFFEB00  }
0x20: {  	_ =	swait.ge [sflag:s24], $0x4000  }
0x21: {  	[sflag:s24] =	ssyncset.done $0x0  }
0x22: {  	[sflag:s24] =	ssyncadd.s32 $0xFFFFC000  }
0x23: {  	[hbm4b:s6+s3] =	stream.linear.scatter [tilespmem:s16], [sflag:$0x2], $0x4000, $0x38;
	[tilespmem:$0x19C00] =	vst v63  }
0x24: {  	s20 =	simm.s32 $0xDC00;
	s18 =	simm.s32 $0x180;
	s26 =	simm.s32 $0x6  }
0x25: {  	[tilespmem:s20], [sflag:$0x1] =	stream.indirect.gather [hbm4b:s1+s15], $0x80, s18, s15, $0xb8;
	[tilespmem:$0x19C00] =	vst v63  }
0x26: {  	s18 =	smul.u32 $0xAB, s26;
	_ =	swait.ge [sflag:s24], $0x4000  }
0x27: {  	s23 =	simm.s32 $0x200;
	s25 =	simm.s32 $0x11C00;
	[sflag:s24] =	ssyncset.done $0x0  }
0x28: {  	s21 =	rddreg [dreg:$0x4];
	s20 =	sadd.s32 $0xFFFFFDFF, s18;
	s18 =	sshrl.u32 s18, $0xA  }
0x29: {  	[sflag:s24] =	ssyncadd.s32 $0xFFFFC000;
	s20 =	sshrl.u32 s20, $0xA;
	s18 =	sand.u32 $0x3F, s18  }
0x2a: {  	[hbm4b:s21+s3] =	stream.linear.scatter [tilespmem:s17], [sflag:$0x2], $0x4000, $0x38;
	[tilespmem:$0x19C00] =	vst v63  }
0x2b: {  	s28 =	simm.s32 $0x8;
	s20 =	sand.u32 $0x3F, s20;
	s21 =	smul.u32 $0x6, s18  }
0x2c: {  	[tilespmem:s25], [sflag:$0x1] =	stream.indirect.gather [hbm4b:s1+s15], $0x80, s23, s15, $0xb8;
	[tilespmem:$0x19C00] =	vst v63  }
0x2d: {  	s30 =	simm.s32 $0x280;
	s20 =	smul.u32 $0x6, s20;
	_ =	swait.ge [sflag:s24], $0x4000  }
0x2e: {  	s18 =	simm.s32 $0x300;
	s21 =	ssub.s32 $0x6, s21;
	[sflag:s24] =	ssyncset.done $0x0  }
0x2f: {  	s23 =	ssub.s32 $0x6, s20;
	s20 =	simm.s32 $0x7;
	[sflag:s24] =	ssyncadd.s32 $0xFFFFC000  }
0x30: {  	[hbm4b:s8+s3] =	stream.linear.scatter [tilespmem:s19], [sflag:$0x2], $0x4000, $0x38;
	[tilespmem:$0x19C00] =	vst v63  }
0x31: {  	s21 =	sand.u32 $0xFF, s21;
	s23 =	sadd.s32 $0xFFFFFFFD, s23;
	s25 =	smul.u32 $0xAB, s20  }
0x32: {  	[tilespmem:s31], [sflag:$0x1] =	stream.indirect.gather [hbm4b:s1+s15], $0x80, s30, s15, $0xb8;
	[tilespmem:$0x19C00] =	vst v63  }
0x33: {  	s21 =	sshll.u32 s21, $0xE;
	s23 =	sand.u32 $0xFF, s23;
	_ =	swait.ge [sflag:s24], $0x4000  }
0x34: {  	s23 =	sshll.u32 s23, $0xE;
	s26 =	sshrl.u32 s25, $0xA;
	[sflag:s24] =	ssyncset.done $0x0  }
0x35: {  	s25 =	sadd.s32 $0xFFFFFDFF, s25;
	s23 =	sor.u32 $0x1C00, s23;
	[sflag:s24] =	ssyncadd.s32 $0xFFFFC000  }
0x36: {  	[hbm4b:s13+s3] =	stream.linear.scatter [tilespmem:s23], [sflag:$0x2], $0x4000, $0x38;
	[tilespmem:$0x19C00] =	vst v63  }
0x37: {  	s26 =	sand.u32 $0x3F, s26;
	s29 =	sshrl.u32 s25, $0xA;
	_ =	swait.ge [sflag:s0], $0x4000  }
0x38: {  	s25 =	simm.s32 $0x300;
	s26 =	smul.u32 $0x6, s26;
	[sflag:s0] =	ssyncset.done $0x0  }
0x39: {  	s23 =	sor.u32 $0x1C00, s21;
	s21 =	sadd.s32 $0x10000, s13;
	[sflag:s0] =	ssyncadd.s32 $0xFFFFC000  }
.LBB2_2:
0x3a: {  	s29 =	sand.u32 $0x3F, s29  }
0x3b: {  	s18 =	sadd.s32 $0x80, s18;
	s30 =	smov.u32 s28;
	s7 =	sadd.s32 $0x1, s28  }
0x3c: {  	p0 =	sne.s32 s28, $0x31;
	s28 =	smul.u32 $0x6, s29;
	s26 =	ssub.s32 s20, s26  }
0x3d: {  	[tilespmem:s23], [sflag:$0x1] =	stream.indirect.gather [hbm4b:s1+s15], $0x80, s25, s15, $0xb8;
	[tilespmem:$0x19C00] =	vst v63  }
0x3e: {  	s25 =	sand.u32 $0xFF, s26;
	s23 =	ssub.s32 s20, s28;
	s20 =	smov.u32 s30  }
0x3f: {  	s26 =	sshll.u32 s25, $0xE;
	s25 =	smov.u32 s18;
	s23 =	sadd.s32 $0xFFFFFFFD, s23  }
0x40: {  	_ =	swait.ge [sflag:s24], $0x4000;
	s28 =	sand.u32 $0xFF, s23;
	s23 =	sor.u32 $0x1C00, s26  }
0x41: {  	s26 =	smul.u32 $0xAB, s20;
	[sflag:s24] =	ssyncset.done $0x0;
	s28 =	sshll.u32 s28, $0xE  }
0x42: {  	[sflag:s24] =	ssyncadd.s32 $0xFFFFC000;
	s28 =	sor.u32 $0x1C00, s28  }
0x43: {  	[hbm4b:s21+s3] =	stream.linear.scatter [tilespmem:s28], [sflag:$0x2], $0x4000, $0x38;
	[tilespmem:$0x19C00] =	vst v63  }
.Ltmp0:
0x44: {  	_ = 	snop;
	(pc) =	sbr.rel @p0 .LBB2_2-.Ltmp0, $4  }
0x45: {  	s28 =	sshrl.u32 s26, $0xA  }
0x46: {  	s21 =	sadd.s32 $0x10000, s21;
	s26 =	sadd.s32 $0xFFFFFDFF, s26;
	_ =	swait.ge [sflag:s0], $0x4000  }
0x47: {  	s28 =	sand.u32 $0x3F, s28;
	s29 =	sshrl.u32 s26, $0xA;
	[sflag:s0] =	ssyncset.done $0x0  }
0x48: {  	s26 =	smul.u32 $0x6, s28;
	s28 =	smov.u32 s7;
	[sflag:s0] =	ssyncadd.s32 $0xFFFFC000  }
0x49: {  	s7 =	sand.u32 $0x3F, s29  }
0x4a: {  	s7 =	smul.u32 $0x6, s7  }
0x4b: {  	[tilespmem:s23], [sflag:$0x1] =	stream.indirect.gather [hbm4b:s1+s15], $0x80, s25, s15, $0xb8;
	[tilespmem:$0x19C00] =	vst v63  }
0x4c: {  	s7 =	ssub.s32 s20, s7  }
0x4d: {  	s7 =	sadd.s32 $0xFFFFFFFD, s7  }
0x4e: {  	_ =	swait.ge [sflag:s24], $0x4000;
	s7 =	sand.u32 $0xFF, s7  }
0x4f: {  	[sflag:s24] =	ssyncset.done $0x0;
	s7 =	sshll.u32 s7, $0xE  }
0x50: {  	s29 =	ssub.s32 s20, s26;
	[sflag:s24] =	ssyncadd.s32 $0xFFFFC000;
	s7 =	sor.u32 $0x1C00, s7  }
0x51: {  	[hbm4b:s21+s3] =	stream.linear.scatter [tilespmem:s7], [sflag:$0x2], $0x4000, $0x38;
	[tilespmem:$0x19C00] =	vst v63  }
0x52: {  	s30 =	sand.u32 $0xFF, s29;
	_ =	swait.ge [sflag:s0], $0x4000  }
0x53: {  	s7 =	sshll.u32 s30, $0xE;
	[sflag:s0] =	ssyncset.done $0x0  }
0x54: {  	s18 =	sadd.s32 $0x80, s18;
	s7 =	sor.u32 $0x1C00, s7;
	[sflag:s0] =	ssyncadd.s32 $0xFFFFC000  }
0x55: {  	[tilespmem:s7], [sflag:$0x1] =	stream.indirect.gather [hbm4b:s1+s15], $0x80, s18, s15, $0xb8;
	[tilespmem:$0x19C00] =	vst v63  }
0x56: {  	_ =	swait.ge [sflag:s24], $0x4000  }
0x57: {  	[sflag:s24] =	ssyncset.done $0x0  }
0x58: {  	[sflag:s24] =	ssyncadd.s32 $0xFFFFC000  }
0x59: {  	[hbm4b:s9+s3] =	stream.linear.scatter [tilespmem:s31], [sflag:$0x2], $0x4000, $0x38;
	[tilespmem:$0x19C00] =	vst v63  }
0x5a: {  	_ =	swait.ge [sflag:s0], $0x4000  }
0x5b: {  	[sflag:s0] =	ssyncset.done $0x0  }
0x5c: {  	[sflag:s0] =	ssyncadd.s32 $0xFFFFC000  }
0x5d: {  	_ =	swait.ge [sflag:s24], $0x4000  }
0x5e: {  	[sflag:s24] =	ssyncset.done $0x0  }
0x5f: {  	[sflag:s24] =	ssyncadd.s32 $0xFFFFC000  }
0x60: {  	[hbm4b:s10+s3] =	stream.linear.scatter [tilespmem:s16], [sflag:$0x2], $0x4000, $0x38;
	[tilespmem:$0x19C00] =	vst v63  }
0x61: {  	_ =	swait.ge [sflag:s0], $0x4000  }
0x62: {  	[sflag:s0] =	ssyncset.done $0x0  }
0x63: {  	[sflag:s0] =	ssyncadd.s32 $0xFFFFC000  }
0x64: {  	_ =	swait.ge [sflag:s24], $0x4000  }
0x65: {  	[sflag:s24] =	ssyncset.done $0x0  }
0x66: {  	[sflag:s24] =	ssyncadd.s32 $0xFFFFC000  }
0x67: {  	[hbm4b:s11+s3] =	stream.linear.scatter [tilespmem:s17], [sflag:$0x2], $0x4000, $0x38;
	[tilespmem:$0x19C00] =	vst v63  }
0x68: {  	_ =	swait.ge [sflag:s0], $0x4000  }
0x69: {  	[sflag:s0] =	ssyncset.done $0x0  }
0x6a: {  	[sflag:s0] =	ssyncadd.s32 $0xFFFFC000  }
0x6b: {  	_ =	swait.ge [sflag:s0], $0x4000  }
0x6c: {  	[sflag:s0] =	ssyncset.done $0x0  }
0x6d: {  	s2 =	sadd.s32 $0x1, s2;
	[sflag:s0] =	ssyncadd.s32 $0xFFFFC000  }
0x6e: {  	p0 =	sne.s32 s2, s12;
	_ =	swait.ge [sflag:s0], $0x4000  }
.Ltmp1:
0x6f: {  	[sflag:s0] =	ssyncset.done $0x0;
	(pc) =	sbr.rel @p0 .LBB2_1-.Ltmp1, $4  }
0x70: {  	[sflag:s0] =	ssyncadd.s32 $0xFFFFC000  }
0x71: {  	_ =	swait.ge [sflag:s0], $0x4000  }
0x72: {  	[sflag:s0] =	ssyncset.done $0x0  }
0x73: {  	[sflag:s0] =	ssyncadd.s32 $0xFFFFC000  }
0x74: {  	_ =	sfence.sel $0x180000  }
0x75: {  	[bflag:$0x0] =	sbarrier.arrive $0xFFFF  }
0x76: {  	_ =	strace $0x90000047  }
0x77: {  	s0 =	stileid.u32;
	[bflag:$0x2] =	sbarrier.arrive $0xFFFF  }
0x78: {  	p0 =	sne.s32 s0, $0x0;
	s0 =	rddreg [dreg:$0x3]  }
0x79: {  	s0 =	sadd.s32 @!p0 $0x100000, s0  }
0x7a: {  	[sflag:s0] =	ssyncadd.tile.s32 @!p0 $0x1;
	_ =	shalt  }
.Lfunc_end2:
_tile_overlayer_lowered:
.L_overlay_start_2:
0x7b: {  	(tag) =	ssettag $0x2  }
0x7c: {  	s0 =	rddreg [dreg:$0x0];
	s2 =	stileid.u32  }
0x7d: {  	s1 =	rddreg [dreg:$0x1];
	p0 =	sne.s32 s2, $0x0  }
0x7e: {  	s3 =	rddreg [dreg:$0x2];
	[bflag:$0x3] =	sbarrier.arrive $0xFFFF;
	s2 =	simm.s32 @!p0 $0x1C03  }
0x7f: {  	[timem:s3], [sflag:s2] =	dma.local @!p0 [hbm:s0], s1  }
0x80: {  	s0 =	simm.s32 @!p0 $0x3  }
0x81: {  	_ =	swait.ge @!p0 [sflag:s0], s1  }
0x82: {  	s1 =	ssub.s32 @!p0 $0x0, s1;
	[sflag:s0] =	ssyncset.done @!p0 $0x0  }
0x83: {  	[sflag:s0] =	ssyncadd.s32 @!p0 s1  }
0x84: {  	[bflag:$0x3] =	sbarrier.arrive $0xFFFF  }
0x85: {  	_ =	shalt  }

</sc_bundles>
